<compile_context>
chip_gen: v7x
topology: tpu7x:2x2x1
jax: 0.10.2.dev20260603
libtpu: 0.0.44.dev20260713+nightly
codegen_flags: <defaults>
</compile_context>

<pallas_src>
import functools

import jax
import jax.numpy as jnp
from jax.experimental import pallas as pl
from jax.experimental.pallas import tpu as pltpu
from jax.experimental.pallas import tpu_sc as plsc

_NC = 2
_NS = 16
_NW = _NC * _NS
_CHUNK = 8
_NBUF = 3


def _gather_rows(x, valid_idx, n_rows, d):
    per_w = n_rows // _NW
    n_chunks = per_w // _CHUNK
    mesh = plsc.VectorSubcoreMesh(core_axis_name="core",
                                  subcore_axis_name="subcore")

    @functools.partial(
        pl.kernel,
        out_type=jax.ShapeDtypeStruct((n_rows, d), x.dtype),
        mesh=mesh,
        scratch_types=[
            pltpu.VMEM((per_w,), jnp.int32),
            pltpu.VMEM((_NBUF, _CHUNK, d), x.dtype),
            pltpu.SemaphoreType.DMA,
            pltpu.SemaphoreType.DMA,
        ],
    )
    def gather_kernel(x_hbm, i_hbm, o_hbm, idx_v, buf, sem_in, sem_out):
        wid = jax.lax.axis_index("subcore") * _NC + jax.lax.axis_index("core")
        base = wid * per_w
        pltpu.sync_copy(i_hbm.at[pl.ds(base, per_w)], idx_v)

        def gather(c):
            return pltpu.make_async_copy(
                x_hbm.at[idx_v.at[pl.ds(c * _CHUNK, _CHUNK)]],
                buf.at[c % _NBUF], sem_in)

        def writeback(c):
            return pltpu.make_async_copy(
                buf.at[c % _NBUF], o_hbm.at[pl.ds(base + c * _CHUNK, _CHUNK)],
                sem_out)

        for c in range(min(_NBUF - 1, n_chunks)):
            gather(c).start()
        pending_wb = 0
        for c in range(n_chunks):
            gather(c).wait()
            writeback(c).start()
            pending_wb += 1
            nxt = c + _NBUF - 1
            if nxt < n_chunks:
                if pending_wb > _NBUF - 2:
                    writeback(c - 1).wait()
                    pending_wb -= 1
                gather(nxt).start()
        for _ in range(pending_wb):
            writeback(n_chunks - 1).wait()

    return gather_kernel(x, valid_idx)


def kernel(x, valid_idx):
    n_rows = valid_idx.shape[0]
    d = x.shape[1]
    return _gather_rows(x, valid_idx, n_rows, d)

# --- scband reference (transcript-rebuilt; emitter-appended) ---
"""Pipeline reference for scband-pruning-parametrization-40312563040732 (READ-ONLY COPY).

The authoritative reference and input builder live on the scoring server;
editing this copy changes nothing except your own understanding.
"""

import jax, jax.numpy as jnp
import numpy as np

N = 4096  # original_outputs
D = 4096  # in_features of the parametrized weight

def setup_inputs(seed: int = 0) -> dict:
    key = jax.random.key(seed)
    x = jax.random.normal(key, (N, D), dtype=jnp.float32)
    # valid_outputs = set(range(original_outputs)) - set()  (no outputs pruned yet)
    # list(set(range(N))) for small non-negative ints enumerates in sorted order,
    # so the faithful index list is arange(N).
    valid_idx = jnp.arange(N, dtype=jnp.int32)
    return {"x": x, "valid_idx": valid_idx}

def reference(x, valid_idx):
    # forward: return x[list(valid_outputs)] -> row gather along dim 0
    return jnp.take(x, valid_idx, axis=0)

if __name__ == "__main__":
    import jax
    _d = setup_inputs()
    print(jax.jit(kernel)(*tuple(_d.values())))

</pallas_src>

<mosaic_0001>
#map = affine_map<(d0, d1) -> (0, 0)>
#map1 = affine_map<(d0, d1) -> (0)>
module attributes {stable_mosaic.version = 14 : i64} {
  func.func @gather_kernel(%arg0: i32, %arg1: i32, %arg2: memref<4096x4096xf32, #tpu.memory_space<hbm>>, %arg3: memref<4096xi32, #tpu.memory_space<hbm>>, %arg4: memref<4096x4096xf32, #tpu.memory_space<hbm>>, %arg5: memref<128xi32, #tpu.memory_space<vmem>>, %arg6: memref<3x8x4096xf32, #tpu.memory_space<vmem>>, %arg7: memref<!tpu.dma_semaphore, #tpu.memory_space<semaphore_mem>>, %arg8: memref<!tpu.dma_semaphore, #tpu.memory_space<semaphore_mem>>) attributes {dimension_semantics = [#tpu.dimension_semantics<core_parallel>, #tpu.dimension_semantics<subcore_parallel>], iteration_bounds = array<i64: 2, 16>, scalar_prefetch = 0 : i64, scratch_operands = 4 : i64, tpu.core_type = #tpu.core_type<sc_vector_subcore>, window_params = [{transform_indices = #map}, {transform_indices = #map1}, {transform_indices = #map}]} {
    %mul3A = arith.constant 2 : i32
    %mul3A_0 = arith.muli %arg1, %mul3A : i32
    %add3A = arith.addi %mul3A_0, %arg0 : i32
    %mul3A_1 = arith.constant 128 : i32
    %mul3A_2 = arith.muli %add3A, %mul3A_1 : i32
    "tpu.region"() ({
      %run_scoped3A = tpu.sem_alloc : memref<!tpu.dma_semaphore, #tpu.memory_space<semaphore_mem>>
      %dma_start3A_801 = tpu.memref_slice %arg3[%mul3A_2] : memref<4096xi32, #tpu.memory_space<hbm>> -> memref<128xi32, #tpu.memory_space<hbm>>
      %dma_start3A_802 = tpu.memref_slice %arg3[%mul3A_2] : memref<4096xi32, #tpu.memory_space<hbm>> -> memref<128xi32, #tpu.memory_space<hbm>>
      tpu.enqueue_dma source(%dma_start3A_802 : memref<128xi32, #tpu.memory_space<hbm>>) target(%arg5 : memref<128xi32, #tpu.memory_space<vmem>>) target_semaphore(%run_scoped3A : memref<!tpu.dma_semaphore, #tpu.memory_space<semaphore_mem>>)
      %dma_wait3A_803 = tpu.memref_slice %arg3[%mul3A_2] : memref<4096xi32, #tpu.memory_space<hbm>> -> memref<128xi32, #tpu.memory_space<hbm>>
      %dma_wait3A_804 = tpu.memref_slice %arg3[%mul3A_2] : memref<4096xi32, #tpu.memory_space<hbm>> -> memref<128xi32, #tpu.memory_space<hbm>>
      tpu.wait_dma2 semaphore(%run_scoped3A : memref<!tpu.dma_semaphore, #tpu.memory_space<semaphore_mem>>) src(%dma_wait3A_804 : memref<128xi32, #tpu.memory_space<hbm>>) dst(%arg5 : memref<128xi32, #tpu.memory_space<vmem>>)
      tpu.yield
    }) : () -> ()
    %dma_start3A = arith.constant 0 : i32
    %dma_start3A_3 = arith.constant 0 : i32
    %dma_start3A_4 = arith.constant 0 : i32
    %dma_start3A_5 = tpu.memref_slice %arg6[%dma_start3A, %dma_start3A_3, %dma_start3A_4] : memref<3x8x4096xf32, #tpu.memory_space<vmem>> -> memref<1x8x4096xf32, #tpu.memory_space<vmem>>
    %dma_start3A_6 = tpu.memref_squeeze %dma_start3A_5 : memref<1x8x4096xf32, #tpu.memory_space<vmem>> -> memref<8x4096xf32, #tpu.memory_space<vmem>>
    %dma_start3A_7 = arith.constant 0 : i32
    %dma_start3A_8 = tpu.memref_slice %arg5[%dma_start3A_7] : memref<128xi32, #tpu.memory_space<vmem>> -> memref<8xi32, #tpu.memory_space<vmem>>
    %dma_start3A_9 = arith.constant 0 : i32
    %dma_start3A_10 = arith.constant 0 : i32
    %dma_start3A_11 = tpu.memref_slice %arg2[%dma_start3A_9, %dma_start3A_10] : memref<4096x4096xf32, #tpu.memory_space<hbm>> -> memref<4096x4096xf32, #tpu.memory_space<hbm>>
    tpu.enqueue_indirect_dma source(%dma_start3A_11 : memref<4096x4096xf32, #tpu.memory_space<hbm>>) target(%dma_start3A_6 : memref<8x4096xf32, #tpu.memory_space<vmem>>) offsets(%dma_start3A_8 : memref<8xi32, #tpu.memory_space<vmem>>) semaphore(%arg7 : memref<!tpu.dma_semaphore, #tpu.memory_space<semaphore_mem>>)
    %dma_start3A_12 = arith.constant 1 : i32
    %dma_start3A_13 = arith.constant 0 : i32
    %dma_start3A_14 = arith.constant 0 : i32
    %dma_start3A_15 = tpu.memref_slice %arg6[%dma_start3A_12, %dma_start3A_13, %dma_start3A_14] : memref<3x8x4096xf32, #tpu.memory_space<vmem>> -> memref<1x8x4096xf32, #tpu.memory_space<vmem>>
    %dma_start3A_16 = tpu.memref_squeeze %dma_start3A_15 : memref<1x8x4096xf32, #tpu.memory_space<vmem>> -> memref<8x4096xf32, #tpu.memory_space<vmem>>
    %dma_start3A_17 = arith.constant 8 : i32
    %dma_start3A_18 = tpu.memref_slice %arg5[%dma_start3A_17] : memref<128xi32, #tpu.memory_space<vmem>> -> memref<8xi32, #tpu.memory_space<vmem>>
    %dma_start3A_19 = arith.constant 0 : i32
    %dma_start3A_20 = arith.constant 0 : i32
    %dma_start3A_21 = tpu.memref_slice %arg2[%dma_start3A_19, %dma_start3A_20] : memref<4096x4096xf32, #tpu.memory_space<hbm>> -> memref<4096x4096xf32, #tpu.memory_space<hbm>>
    tpu.enqueue_indirect_dma source(%dma_start3A_21 : memref<4096x4096xf32, #tpu.memory_space<hbm>>) target(%dma_start3A_16 : memref<8x4096xf32, #tpu.memory_space<vmem>>) offsets(%dma_start3A_18 : memref<8xi32, #tpu.memory_space<vmem>>) semaphore(%arg7 : memref<!tpu.dma_semaphore, #tpu.memory_space<semaphore_mem>>)
    %dma_wait3A = arith.constant 0 : i32
    %dma_wait3A_22 = arith.constant 0 : i32
    %dma_wait3A_23 = arith.constant 0 : i32
    %dma_wait3A_24 = tpu.memref_slice %arg6[%dma_wait3A, %dma_wait3A_22, %dma_wait3A_23] : memref<3x8x4096xf32, #tpu.memory_space<vmem>> -> memref<1x8x4096xf32, #tpu.memory_space<vmem>>
    %dma_wait3A_25 = tpu.memref_squeeze %dma_wait3A_24 : memref<1x8x4096xf32, #tpu.memory_space<vmem>> -> memref<8x4096xf32, #tpu.memory_space<vmem>>
    %dma_wait3A_26 = arith.constant 0 : i32
    %dma_wait3A_27 = tpu.memref_slice %arg5[%dma_wait3A_26] : memref<128xi32, #tpu.memory_space<vmem>> -> memref<8xi32, #tpu.memory_space<vmem>>
    %dma_wait3A_28 = arith.constant 0 : i32
    %dma_wait3A_29 = arith.constant 0 : i32
    %dma_wait3A_30 = tpu.memref_slice %arg2[%dma_wait3A_28, %dma_wait3A_29] : memref<4096x4096xf32, #tpu.memory_space<hbm>> -> memref<4096x4096xf32, #tpu.memory_space<hbm>>
    tpu.wait_indirect_dma semaphore(%arg7 : memref<!tpu.dma_semaphore, #tpu.memory_space<semaphore_mem>>) src(%dma_wait3A_30 : memref<4096x4096xf32, #tpu.memory_space<hbm>>) dst(%dma_wait3A_25 : memref<8x4096xf32, #tpu.memory_space<vmem>>)
    %add3A_31 = arith.constant 0 : i32
    %add3A_32 = arith.addi %mul3A_2, %add3A_31 : i32
    %dma_start3A_33 = arith.constant 0 : i32
    %dma_start3A_34 = arith.constant 0 : i32
    %dma_start3A_35 = arith.constant 0 : i32
    %dma_start3A_36 = tpu.memref_slice %arg6[%dma_start3A_33, %dma_start3A_34, %dma_start3A_35] : memref<3x8x4096xf32, #tpu.memory_space<vmem>> -> memref<1x8x4096xf32, #tpu.memory_space<vmem>>
    %dma_start3A_37 = tpu.memref_squeeze %dma_start3A_36 : memref<1x8x4096xf32, #tpu.memory_space<vmem>> -> memref<8x4096xf32, #tpu.memory_space<vmem>>
    %dma_start3A_38 = arith.constant 0 : i32
    %dma_start3A_39 = tpu.memref_slice %arg4[%add3A_32, %dma_start3A_38] : memref<4096x4096xf32, #tpu.memory_space<hbm>> -> memref<8x4096xf32, #tpu.memory_space<hbm>>
    %dma_start3A_40 = arith.constant 0 : i32
    %dma_start3A_41 = tpu.memref_slice %arg4[%add3A_32, %dma_start3A_40] : memref<4096x4096xf32, #tpu.memory_space<hbm>> -> memref<8x4096xf32, #tpu.memory_space<hbm>>
    %dma_start3A_42 = arith.constant 0 : i32
    %dma_start3A_43 = arith.constant 0 : i32
    %dma_start3A_44 = tpu.memref_slice %arg6[%dma_start3A_33, %dma_start3A_42, %dma_start3A_43] : memref<3x8x4096xf32, #tpu.memory_space<vmem>> -> memref<1x8x4096xf32, #tpu.memory_space<vmem>>
    %dma_start3A_45 = tpu.memref_squeeze %dma_start3A_44 : memref<1x8x4096xf32, #tpu.memory_space<vmem>> -> memref<8x4096xf32, #tpu.memory_space<vmem>>
    tpu.enqueue_dma source(%dma_start3A_45 : memref<8x4096xf32, #tpu.memory_space<vmem>>) target(%dma_start3A_41 : memref<8x4096xf32, #tpu.memory_space<hbm>>) target_semaphore(%arg8 : memref<!tpu.dma_semaphore, #tpu.memory_space<semaphore_mem>>)
    %dma_start3A_46 = arith.constant 2 : i32
    %dma_start3A_47 = arith.constant 0 : i32
    %dma_start3A_48 = arith.constant 0 : i32
    %dma_start3A_49 = tpu.memref_slice %arg6[%dma_start3A_46, %dma_start3A_47, %dma_start3A_48] : memref<3x8x4096xf32, #tpu.memory_space<vmem>> -> memref<1x8x4096xf32, #tpu.memory_space<vmem>>
    %dma_start3A_50 = tpu.memref_squeeze %dma_start3A_49 : memref<1x8x4096xf32, #tpu.memory_space<vmem>> -> memref<8x4096xf32, #tpu.memory_space<vmem>>
    %dma_start3A_51 = arith.constant 16 : i32
    %dma_start3A_52 = tpu.memref_slice %arg5[%dma_start3A_51] : memref<128xi32, #tpu.memory_space<vmem>> -> memref<8xi32, #tpu.memory_space<vmem>>
    %dma_start3A_53 = arith.constant 0 : i32
    %dma_start3A_54 = arith.constant 0 : i32
    %dma_start3A_55 = tpu.memref_slice %arg2[%dma_start3A_53, %dma_start3A_54] : memref<4096x4096xf32, #tpu.memory_space<hbm>> -> memref<4096x4096xf32, #tpu.memory_space<hbm>>
    tpu.enqueue_indirect_dma source(%dma_start3A_55 : memref<4096x4096xf32, #tpu.memory_space<hbm>>) target(%dma_start3A_50 : memref<8x4096xf32, #tpu.memory_space<vmem>>) offsets(%dma_start3A_52 : memref<8xi32, #tpu.memory_space<vmem>>) semaphore(%arg7 : memref<!tpu.dma_semaphore, #tpu.memory_space<semaphore_mem>>)
    %dma_wait3A_56 = arith.constant 1 : i32
    %dma_wait3A_57 = arith.constant 0 : i32
    %dma_wait3A_58 = arith.constant 0 : i32
    %dma_wait3A_59 = tpu.memref_slice %arg6[%dma_wait3A_56, %dma_wait3A_57, %dma_wait3A_58] : memref<3x8x4096xf32, #tpu.memory_space<vmem>> -> memref<1x8x4096xf32, #tpu.memory_space<vmem>>
    %dma_wait3A_60 = tpu.memref_squeeze %dma_wait3A_59 : memref<1x8x4096xf32, #tpu.memory_space<vmem>> -> memref<8x4096xf32, #tpu.memory_space<vmem>>
    %dma_wait3A_61 = arith.constant 8 : i32
    %dma_wait3A_62 = tpu.memref_slice %arg5[%dma_wait3A_61] : memref<128xi32, #tpu.memory_space<vmem>> -> memref<8xi32, #tpu.memory_space<vmem>>
    %dma_wait3A_63 = arith.constant 0 : i32
    %dma_wait3A_64 = arith.constant 0 : i32
    %dma_wait3A_65 = tpu.memref_slice %arg2[%dma_wait3A_63, %dma_wait3A_64] : memref<4096x4096xf32, #tpu.memory_space<hbm>> -> memref<4096x4096xf32, #tpu.memory_space<hbm>>
    tpu.wait_indirect_dma semaphore(%arg7 : memref<!tpu.dma_semaphore, #tpu.memory_space<semaphore_mem>>) src(%dma_wait3A_65 : memref<4096x4096xf32, #tpu.memory_space<hbm>>) dst(%dma_wait3A_60 : memref<8x4096xf32, #tpu.memory_space<vmem>>)
    %add3A_66 = arith.constant 8 : i32
    %add3A_67 = arith.addi %mul3A_2, %add3A_66 : i32
    %dma_start3A_68 = arith.constant 1 : i32
    %dma_start3A_69 = arith.constant 0 : i32
    %dma_start3A_70 = arith.constant 0 : i32
    %dma_start3A_71 = tpu.memref_slice %arg6[%dma_start3A_68, %dma_start3A_69, %dma_start3A_70] : memref<3x8x4096xf32, #tpu.memory_space<vmem>> -> memref<1x8x4096xf32, #tpu.memory_space<vmem>>
    %dma_start3A_72 = tpu.memref_squeeze %dma_start3A_71 : memref<1x8x4096xf32, #tpu.memory_space<vmem>> -> memref<8x4096xf32, #tpu.memory_space<vmem>>
    %dma_start3A_73 = arith.constant 0 : i32
    %dma_start3A_74 = tpu.memref_slice %arg4[%add3A_67, %dma_start3A_73] : memref<4096x4096xf32, #tpu.memory_space<hbm>> -> memref<8x4096xf32, #tpu.memory_space<hbm>>
    %dma_start3A_75 = arith.constant 0 : i32
    %dma_start3A_76 = tpu.memref_slice %arg4[%add3A_67, %dma_start3A_75] : memref<4096x4096xf32, #tpu.memory_space<hbm>> -> memref<8x4096xf32, #tpu.memory_space<hbm>>
    %dma_start3A_77 = arith.constant 0 : i32
    %dma_start3A_78 = arith.constant 0 : i32
    %dma_start3A_79 = tpu.memref_slice %arg6[%dma_start3A_68, %dma_start3A_77, %dma_start3A_78] : memref<3x8x4096xf32, #tpu.memory_space<vmem>> -> memref<1x8x4096xf32, #tpu.memory_space<vmem>>
    %dma_start3A_80 = tpu.memref_squeeze %dma_start3A_79 : memref<1x8x4096xf32, #tpu.memory_space<vmem>> -> memref<8x4096xf32, #tpu.memory_space<vmem>>
    tpu.enqueue_dma source(%dma_start3A_80 : memref<8x4096xf32, #tpu.memory_space<vmem>>) target(%dma_start3A_76 : memref<8x4096xf32, #tpu.memory_space<hbm>>) target_semaphore(%arg8 : memref<!tpu.dma_semaphore, #tpu.memory_space<semaphore_mem>>)
    %add3A_81 = arith.constant 0 : i32
    %add3A_82 = arith.addi %mul3A_2, %add3A_81 : i32
    %dma_wait3A_83 = arith.constant 0 : i32
    %dma_wait3A_84 = arith.constant 0 : i32
    %dma_wait3A_85 = arith.constant 0 : i32
    %dma_wait3A_86 = tpu.memref_slice %arg6[%dma_wait3A_83, %dma_wait3A_84, %dma_wait3A_85] : memref<3x8x4096xf32, #tpu.memory_space<vmem>> -> memref<1x8x4096xf32, #tpu.memory_space<vmem>>
    %dma_wait3A_87 = tpu.memref_squeeze %dma_wait3A_86 : memref<1x8x4096xf32, #tpu.memory_space<vmem>> -> memref<8x4096xf32, #tpu.memory_space<vmem>>
    %dma_wait3A_88 = arith.constant 0 : i32
    %dma_wait3A_89 = tpu.memref_slice %arg4[%add3A_82, %dma_wait3A_88] : memref<4096x4096xf32, #tpu.memory_space<hbm>> -> memref<8x4096xf32, #tpu.memory_space<hbm>>
    %dma_wait3A_90 = arith.constant 0 : i32
    %dma_wait3A_91 = tpu.memref_slice %arg4[%add3A_82, %dma_wait3A_90] : memref<4096x4096xf32, #tpu.memory_space<hbm>> -> memref<8x4096xf32, #tpu.memory_space<hbm>>
    %dma_wait3A_92 = arith.constant 0 : i32
    %dma_wait3A_93 = arith.constant 0 : i32
    %dma_wait3A_94 = tpu.memref_slice %arg6[%dma_wait3A_83, %dma_wait3A_92, %dma_wait3A_93] : memref<3x8x4096xf32, #tpu.memory_space<vmem>> -> memref<1x8x4096xf32, #tpu.memory_space<vmem>>
    %dma_wait3A_95 = tpu.memref_squeeze %dma_wait3A_94 : memref<1x8x4096xf32, #tpu.memory_space<vmem>> -> memref<8x4096xf32, #tpu.memory_space<vmem>>
    tpu.wait_dma2 semaphore(%arg8 : memref<!tpu.dma_semaphore, #tpu.memory_space<semaphore_mem>>) src(%dma_wait3A_95 : memref<8x4096xf32, #tpu.memory_space<vmem>>) dst(%dma_wait3A_91 : memref<8x4096xf32, #tpu.memory_space<hbm>>)
    %dma_start3A_96 = arith.constant 0 : i32
    %dma_start3A_97 = arith.constant 0 : i32
    %dma_start3A_98 = arith.constant 0 : i32
    %dma_start3A_99 = tpu.memref_slice %arg6[%dma_start3A_96, %dma_start3A_97, %dma_start3A_98] : memref<3x8x4096xf32, #tpu.memory_space<vmem>> -> memref<1x8x4096xf32, #tpu.memory_space<vmem>>
    %dma_start3A_100 = tpu.memref_squeeze %dma_start3A_99 : memref<1x8x4096xf32, #tpu.memory_space<vmem>> -> memref<8x4096xf32, #tpu.memory_space<vmem>>
    %dma_start3A_101 = arith.constant 24 : i32
    %dma_start3A_102 = tpu.memref_slice %arg5[%dma_start3A_101] : memref<128xi32, #tpu.memory_space<vmem>> -> memref<8xi32, #tpu.memory_space<vmem>>
    %dma_start3A_103 = arith.constant 0 : i32
    %dma_start3A_104 = arith.constant 0 : i32
    %dma_start3A_105 = tpu.memref_slice %arg2[%dma_start3A_103, %dma_start3A_104] : memref<4096x4096xf32, #tpu.memory_space<hbm>> -> memref<4096x4096xf32, #tpu.memory_space<hbm>>
    tpu.enqueue_indirect_dma source(%dma_start3A_105 : memref<4096x4096xf32, #tpu.memory_space<hbm>>) target(%dma_start3A_100 : memref<8x4096xf32, #tpu.memory_space<vmem>>) offsets(%dma_start3A_102 : memref<8xi32, #tpu.memory_space<vmem>>) semaphore(%arg7 : memref<!tpu.dma_semaphore, #tpu.memory_space<semaphore_mem>>)
    %dma_wait3A_106 = arith.constant 2 : i32
    %dma_wait3A_107 = arith.constant 0 : i32
    %dma_wait3A_108 = arith.constant 0 : i32
    %dma_wait3A_109 = tpu.memref_slice %arg6[%dma_wait3A_106, %dma_wait3A_107, %dma_wait3A_108] : memref<3x8x4096xf32, #tpu.memory_space<vmem>> -> memref<1x8x4096xf32, #tpu.memory_space<vmem>>
    %dma_wait3A_110 = tpu.memref_squeeze %dma_wait3A_109 : memref<1x8x4096xf32, #tpu.memory_space<vmem>> -> memref<8x4096xf32, #tpu.memory_space<vmem>>
    %dma_wait3A_111 = arith.constant 16 : i32
    %dma_wait3A_112 = tpu.memref_slice %arg5[%dma_wait3A_111] : memref<128xi32, #tpu.memory_space<vmem>> -> memref<8xi32, #tpu.memory_space<vmem>>
    %dma_wait3A_113 = arith.constant 0 : i32
    %dma_wait3A_114 = arith.constant 0 : i32
    %dma_wait3A_115 = tpu.memref_slice %arg2[%dma_wait3A_113, %dma_wait3A_114] : memref<4096x4096xf32, #tpu.memory_space<hbm>> -> memref<4096x4096xf32, #tpu.memory_space<hbm>>
    tpu.wait_indirect_dma semaphore(%arg7 : memref<!tpu.dma_semaphore, #tpu.memory_space<semaphore_mem>>) src(%dma_wait3A_115 : memref<4096x4096xf32, #tpu.memory_space<hbm>>) dst(%dma_wait3A_110 : memref<8x4096xf32, #tpu.memory_space<vmem>>)
    %add3A_116 = arith.constant 16 : i32
    %add3A_117 = arith.addi %mul3A_2, %add3A_116 : i32
    %dma_start3A_118 = arith.constant 2 : i32
    %dma_start3A_119 = arith.constant 0 : i32
    %dma_start3A_120 = arith.constant 0 : i32
    %dma_start3A_121 = tpu.memref_slice %arg6[%dma_start3A_118, %dma_start3A_119, %dma_start3A_120] : memref<3x8x4096xf32, #tpu.memory_space<vmem>> -> memref<1x8x4096xf32, #tpu.memory_space<vmem>>
    %dma_start3A_122 = tpu.memref_squeeze %dma_start3A_121 : memref<1x8x4096xf32, #tpu.memory_space<vmem>> -> memref<8x4096xf32, #tpu.memory_space<vmem>>
    %dma_start3A_123 = arith.constant 0 : i32
    %dma_start3A_124 = tpu.memref_slice %arg4[%add3A_117, %dma_start3A_123] : memref<4096x4096xf32, #tpu.memory_space<hbm>> -> memref<8x4096xf32, #tpu.memory_space<hbm>>
    %dma_start3A_125 = arith.constant 0 : i32
    %dma_start3A_126 = tpu.memref_slice %arg4[%add3A_117, %dma_start3A_125] : memref<4096x4096xf32, #tpu.memory_space<hbm>> -> memref<8x4096xf32, #tpu.memory_space<hbm>>
    %dma_start3A_127 = arith.constant 0 : i32
    %dma_start3A_128 = arith.constant 0 : i32
    %dma_start3A_129 = tpu.memref_slice %arg6[%dma_start3A_118, %dma_start3A_127, %dma_start3A_128] : memref<3x8x4096xf32, #tpu.memory_space<vmem>> -> memref<1x8x4096xf32, #tpu.memory_space<vmem>>
    %dma_start3A_130 = tpu.memref_squeeze %dma_start3A_129 : memref<1x8x4096xf32, #tpu.memory_space<vmem>> -> memref<8x4096xf32, #tpu.memory_space<vmem>>
    tpu.enqueue_dma source(%dma_start3A_130 : memref<8x4096xf32, #tpu.memory_space<vmem>>) target(%dma_start3A_126 : memref<8x4096xf32, #tpu.memory_space<hbm>>) target_semaphore(%arg8 : memref<!tpu.dma_semaphore, #tpu.memory_space<semaphore_mem>>)
    %add3A_131 = arith.constant 8 : i32
    %add3A_132 = arith.addi %mul3A_2, %add3A_131 : i32
    %dma_wait3A_133 = arith.constant 1 : i32
    %dma_wait3A_134 = arith.constant 0 : i32
    %dma_wait3A_135 = arith.constant 0 : i32
    %dma_wait3A_136 = tpu.memref_slice %arg6[%dma_wait3A_133, %dma_wait3A_134, %dma_wait3A_135] : memref<3x8x4096xf32, #tpu.memory_space<vmem>> -> memref<1x8x4096xf32, #tpu.memory_space<vmem>>
    %dma_wait3A_137 = tpu.memref_squeeze %dma_wait3A_136 : memref<1x8x4096xf32, #tpu.memory_space<vmem>> -> memref<8x4096xf32, #tpu.memory_space<vmem>>
    %dma_wait3A_138 = arith.constant 0 : i32
    %dma_wait3A_139 = tpu.memref_slice %arg4[%add3A_132, %dma_wait3A_138] : memref<4096x4096xf32, #tpu.memory_space<hbm>> -> memref<8x4096xf32, #tpu.memory_space<hbm>>
    %dma_wait3A_140 = arith.constant 0 : i32
    %dma_wait3A_141 = tpu.memref_slice %arg4[%add3A_132, %dma_wait3A_140] : memref<4096x4096xf32, #tpu.memory_space<hbm>> -> memref<8x4096xf32, #tpu.memory_space<hbm>>
    %dma_wait3A_142 = arith.constant 0 : i32
    %dma_wait3A_143 = arith.constant 0 : i32
    %dma_wait3A_144 = tpu.memref_slice %arg6[%dma_wait3A_133, %dma_wait3A_142, %dma_wait3A_143] : memref<3x8x4096xf32, #tpu.memory_space<vmem>> -> memref<1x8x4096xf32, #tpu.memory_space<vmem>>
    %dma_wait3A_145 = tpu.memref_squeeze %dma_wait3A_144 : memref<1x8x4096xf32, #tpu.memory_space<vmem>> -> memref<8x4096xf32, #tpu.memory_space<vmem>>
    tpu.wait_dma2 semaphore(%arg8 : memref<!tpu.dma_semaphore, #tpu.memory_space<semaphore_mem>>) src(%dma_wait3A_145 : memref<8x4096xf32, #tpu.memory_space<vmem>>) dst(%dma_wait3A_141 : memref<8x4096xf32, #tpu.memory_space<hbm>>)
    %dma_start3A_146 = arith.constant 1 : i32
    %dma_start3A_147 = arith.constant 0 : i32
    %dma_start3A_148 = arith.constant 0 : i32
    %dma_start3A_149 = tpu.memref_slice %arg6[%dma_start3A_146, %dma_start3A_147, %dma_start3A_148] : memref<3x8x4096xf32, #tpu.memory_space<vmem>> -> memref<1x8x4096xf32, #tpu.memory_space<vmem>>
    %dma_start3A_150 = tpu.memref_squeeze %dma_start3A_149 : memref<1x8x4096xf32, #tpu.memory_space<vmem>> -> memref<8x4096xf32, #tpu.memory_space<vmem>>
    %dma_start3A_151 = arith.constant 32 : i32
    %dma_start3A_152 = tpu.memref_slice %arg5[%dma_start3A_151] : memref<128xi32, #tpu.memory_space<vmem>> -> memref<8xi32, #tpu.memory_space<vmem>>
    %dma_start3A_153 = arith.constant 0 : i32
    %dma_start3A_154 = arith.constant 0 : i32
    %dma_start3A_155 = tpu.memref_slice %arg2[%dma_start3A_153, %dma_start3A_154] : memref<4096x4096xf32, #tpu.memory_space<hbm>> -> memref<4096x4096xf32, #tpu.memory_space<hbm>>
    tpu.enqueue_indirect_dma source(%dma_start3A_155 : memref<4096x4096xf32, #tpu.memory_space<hbm>>) target(%dma_start3A_150 : memref<8x4096xf32, #tpu.memory_space<vmem>>) offsets(%dma_start3A_152 : memref<8xi32, #tpu.memory_space<vmem>>) semaphore(%arg7 : memref<!tpu.dma_semaphore, #tpu.memory_space<semaphore_mem>>)
    %dma_wait3A_156 = arith.constant 0 : i32
    %dma_wait3A_157 = arith.constant 0 : i32
    %dma_wait3A_158 = arith.constant 0 : i32
    %dma_wait3A_159 = tpu.memref_slice %arg6[%dma_wait3A_156, %dma_wait3A_157, %dma_wait3A_158] : memref<3x8x4096xf32, #tpu.memory_space<vmem>> -> memref<1x8x4096xf32, #tpu.memory_space<vmem>>
    %dma_wait3A_160 = tpu.memref_squeeze %dma_wait3A_159 : memref<1x8x4096xf32, #tpu.memory_space<vmem>> -> memref<8x4096xf32, #tpu.memory_space<vmem>>
    %dma_wait3A_161 = arith.constant 24 : i32
    %dma_wait3A_162 = tpu.memref_slice %arg5[%dma_wait3A_161] : memref<128xi32, #tpu.memory_space<vmem>> -> memref<8xi32, #tpu.memory_space<vmem>>
    %dma_wait3A_163 = arith.constant 0 : i32
    %dma_wait3A_164 = arith.constant 0 : i32
    %dma_wait3A_165 = tpu.memref_slice %arg2[%dma_wait3A_163, %dma_wait3A_164] : memref<4096x4096xf32, #tpu.memory_space<hbm>> -> memref<4096x4096xf32, #tpu.memory_space<hbm>>
    tpu.wait_indirect_dma semaphore(%arg7 : memref<!tpu.dma_semaphore, #tpu.memory_space<semaphore_mem>>) src(%dma_wait3A_165 : memref<4096x4096xf32, #tpu.memory_space<hbm>>) dst(%dma_wait3A_160 : memref<8x4096xf32, #tpu.memory_space<vmem>>)
    %add3A_166 = arith.constant 24 : i32
    %add3A_167 = arith.addi %mul3A_2, %add3A_166 : i32
    %dma_start3A_168 = arith.constant 0 : i32
    %dma_start3A_169 = arith.constant 0 : i32
    %dma_start3A_170 = arith.constant 0 : i32
    %dma_start3A_171 = tpu.memref_slice %arg6[%dma_start3A_168, %dma_start3A_169, %dma_start3A_170] : memref<3x8x4096xf32, #tpu.memory_space<vmem>> -> memref<1x8x4096xf32, #tpu.memory_space<vmem>>
    %dma_start3A_172 = tpu.memref_squeeze %dma_start3A_171 : memref<1x8x4096xf32, #tpu.memory_space<vmem>> -> memref<8x4096xf32, #tpu.memory_space<vmem>>
    %dma_start3A_173 = arith.constant 0 : i32
    %dma_start3A_174 = tpu.memref_slice %arg4[%add3A_167, %dma_start3A_173] : memref<4096x4096xf32, #tpu.memory_space<hbm>> -> memref<8x4096xf32, #tpu.memory_space<hbm>>
    %dma_start3A_175 = arith.constant 0 : i32
    %dma_start3A_176 = tpu.memref_slice %arg4[%add3A_167, %dma_start3A_175] : memref<4096x4096xf32, #tpu.memory_space<hbm>> -> memref<8x4096xf32, #tpu.memory_space<hbm>>
    %dma_start3A_177 = arith.constant 0 : i32
    %dma_start3A_178 = arith.constant 0 : i32
    %dma_start3A_179 = tpu.memref_slice %arg6[%dma_start3A_168, %dma_start3A_177, %dma_start3A_178] : memref<3x8x4096xf32, #tpu.memory_space<vmem>> -> memref<1x8x4096xf32, #tpu.memory_space<vmem>>
    %dma_start3A_180 = tpu.memref_squeeze %dma_start3A_179 : memref<1x8x4096xf32, #tpu.memory_space<vmem>> -> memref<8x4096xf32, #tpu.memory_space<vmem>>
    tpu.enqueue_dma source(%dma_start3A_180 : memref<8x4096xf32, #tpu.memory_space<vmem>>) target(%dma_start3A_176 : memref<8x4096xf32, #tpu.memory_space<hbm>>) target_semaphore(%arg8 : memref<!tpu.dma_semaphore, #tpu.memory_space<semaphore_mem>>)
    %add3A_181 = arith.constant 16 : i32
    %add3A_182 = arith.addi %mul3A_2, %add3A_181 : i32
    %dma_wait3A_183 = arith.constant 2 : i32
    %dma_wait3A_184 = arith.constant 0 : i32
    %dma_wait3A_185 = arith.constant 0 : i32
    %dma_wait3A_186 = tpu.memref_slice %arg6[%dma_wait3A_183, %dma_wait3A_184, %dma_wait3A_185] : memref<3x8x4096xf32, #tpu.memory_space<vmem>> -> memref<1x8x4096xf32, #tpu.memory_space<vmem>>
    %dma_wait3A_187 = tpu.memref_squeeze %dma_wait3A_186 : memref<1x8x4096xf32, #tpu.memory_space<vmem>> -> memref<8x4096xf32, #tpu.memory_space<vmem>>
    %dma_wait3A_188 = arith.constant 0 : i32
    %dma_wait3A_189 = tpu.memref_slice %arg4[%add3A_182, %dma_wait3A_188] : memref<4096x4096xf32, #tpu.memory_space<hbm>> -> memref<8x4096xf32, #tpu.memory_space<hbm>>
    %dma_wait3A_190 = arith.constant 0 : i32
    %dma_wait3A_191 = tpu.memref_slice %arg4[%add3A_182, %dma_wait3A_190] : memref<4096x4096xf32, #tpu.memory_space<hbm>> -> memref<8x4096xf32, #tpu.memory_space<hbm>>
    %dma_wait3A_192 = arith.constant 0 : i32
    %dma_wait3A_193 = arith.constant 0 : i32
    %dma_wait3A_194 = tpu.memref_slice %arg6[%dma_wait3A_183, %dma_wait3A_192, %dma_wait3A_193] : memref<3x8x4096xf32, #tpu.memory_space<vmem>> -> memref<1x8x4096xf32, #tpu.memory_space<vmem>>
    %dma_wait3A_195 = tpu.memref_squeeze %dma_wait3A_194 : memref<1x8x4096xf32, #tpu.memory_space<vmem>> -> memref<8x4096xf32, #tpu.memory_space<vmem>>
    tpu.wait_dma2 semaphore(%arg8 : memref<!tpu.dma_semaphore, #tpu.memory_space<semaphore_mem>>) src(%dma_wait3A_195 : memref<8x4096xf32, #tpu.memory_space<vmem>>) dst(%dma_wait3A_191 : memref<8x4096xf32, #tpu.memory_space<hbm>>)
    %dma_start3A_196 = arith.constant 2 : i32
    %dma_start3A_197 = arith.constant 0 : i32
    %dma_start3A_198 = arith.constant 0 : i32
    %dma_start3A_199 = tpu.memref_slice %arg6[%dma_start3A_196, %dma_start3A_197, %dma_start3A_198] : memref<3x8x4096xf32, #tpu.memory_space<vmem>> -> memref<1x8x4096xf32, #tpu.memory_space<vmem>>
    %dma_start3A_200 = tpu.memref_squeeze %dma_start3A_199 : memref<1x8x4096xf32, #tpu.memory_space<vmem>> -> memref<8x4096xf32, #tpu.memory_space<vmem>>
    %dma_start3A_201 = arith.constant 40 : i32
    %dma_start3A_202 = tpu.memref_slice %arg5[%dma_start3A_201] : memref<128xi32, #tpu.memory_space<vmem>> -> memref<8xi32, #tpu.memory_space<vmem>>
    %dma_start3A_203 = arith.constant 0 : i32
    %dma_start3A_204 = arith.constant 0 : i32
    %dma_start3A_205 = tpu.memref_slice %arg2[%dma_start3A_203, %dma_start3A_204] : memref<4096x4096xf32, #tpu.memory_space<hbm>> -> memref<4096x4096xf32, #tpu.memory_space<hbm>>
    tpu.enqueue_indirect_dma source(%dma_start3A_205 : memref<4096x4096xf32, #tpu.memory_space<hbm>>) target(%dma_start3A_200 : memref<8x4096xf32, #tpu.memory_space<vmem>>) offsets(%dma_start3A_202 : memref<8xi32, #tpu.memory_space<vmem>>) semaphore(%arg7 : memref<!tpu.dma_semaphore, #tpu.memory_space<semaphore_mem>>)
    %dma_wait3A_206 = arith.constant 1 : i32
    %dma_wait3A_207 = arith.constant 0 : i32
    %dma_wait3A_208 = arith.constant 0 : i32
    %dma_wait3A_209 = tpu.memref_slice %arg6[%dma_wait3A_206, %dma_wait3A_207, %dma_wait3A_208] : memref<3x8x4096xf32, #tpu.memory_space<vmem>> -> memref<1x8x4096xf32, #tpu.memory_space<vmem>>
    %dma_wait3A_210 = tpu.memref_squeeze %dma_wait3A_209 : memref<1x8x4096xf32, #tpu.memory_space<vmem>> -> memref<8x4096xf32, #tpu.memory_space<vmem>>
    %dma_wait3A_211 = arith.constant 32 : i32
    %dma_wait3A_212 = tpu.memref_slice %arg5[%dma_wait3A_211] : memref<128xi32, #tpu.memory_space<vmem>> -> memref<8xi32, #tpu.memory_space<vmem>>
    %dma_wait3A_213 = arith.constant 0 : i32
    %dma_wait3A_214 = arith.constant 0 : i32
    %dma_wait3A_215 = tpu.memref_slice %arg2[%dma_wait3A_213, %dma_wait3A_214] : memref<4096x4096xf32, #tpu.memory_space<hbm>> -> memref<4096x4096xf32, #tpu.memory_space<hbm>>
    tpu.wait_indirect_dma semaphore(%arg7 : memref<!tpu.dma_semaphore, #tpu.memory_space<semaphore_mem>>) src(%dma_wait3A_215 : memref<4096x4096xf32, #tpu.memory_space<hbm>>) dst(%dma_wait3A_210 : memref<8x4096xf32, #tpu.memory_space<vmem>>)
    %add3A_216 = arith.constant 32 : i32
    %add3A_217 = arith.addi %mul3A_2, %add3A_216 : i32
    %dma_start3A_218 = arith.constant 1 : i32
    %dma_start3A_219 = arith.constant 0 : i32
    %dma_start3A_220 = arith.constant 0 : i32
    %dma_start3A_221 = tpu.memref_slice %arg6[%dma_start3A_218, %dma_start3A_219, %dma_start3A_220] : memref<3x8x4096xf32, #tpu.memory_space<vmem>> -> memref<1x8x4096xf32, #tpu.memory_space<vmem>>
    %dma_start3A_222 = tpu.memref_squeeze %dma_start3A_221 : memref<1x8x4096xf32, #tpu.memory_space<vmem>> -> memref<8x4096xf32, #tpu.memory_space<vmem>>
    %dma_start3A_223 = arith.constant 0 : i32
    %dma_start3A_224 = tpu.memref_slice %arg4[%add3A_217, %dma_start3A_223] : memref<4096x4096xf32, #tpu.memory_space<hbm>> -> memref<8x4096xf32, #tpu.memory_space<hbm>>
    %dma_start3A_225 = arith.constant 0 : i32
    %dma_start3A_226 = tpu.memref_slice %arg4[%add3A_217, %dma_start3A_225] : memref<4096x4096xf32, #tpu.memory_space<hbm>> -> memref<8x4096xf32, #tpu.memory_space<hbm>>
    %dma_start3A_227 = arith.constant 0 : i32
    %dma_start3A_228 = arith.constant 0 : i32
    %dma_start3A_229 = tpu.memref_slice %arg6[%dma_start3A_218, %dma_start3A_227, %dma_start3A_228] : memref<3x8x4096xf32, #tpu.memory_space<vmem>> -> memref<1x8x4096xf32, #tpu.memory_space<vmem>>
    %dma_start3A_230 = tpu.memref_squeeze %dma_start3A_229 : memref<1x8x4096xf32, #tpu.memory_space<vmem>> -> memref<8x4096xf32, #tpu.memory_space<vmem>>
    tpu.enqueue_dma source(%dma_start3A_230 : memref<8x4096xf32, #tpu.memory_space<vmem>>) target(%dma_start3A_226 : memref<8x4096xf32, #tpu.memory_space<hbm>>) target_semaphore(%arg8 : memref<!tpu.dma_semaphore, #tpu.memory_space<semaphore_mem>>)
    %add3A_231 = arith.constant 24 : i32
    %add3A_232 = arith.addi %mul3A_2, %add3A_231 : i32
    %dma_wait3A_233 = arith.constant 0 : i32
    %dma_wait3A_234 = arith.constant 0 : i32
    %dma_wait3A_235 = arith.constant 0 : i32
    %dma_wait3A_236 = tpu.memref_slice %arg6[%dma_wait3A_233, %dma_wait3A_234, %dma_wait3A_235] : memref<3x8x4096xf32, #tpu.memory_space<vmem>> -> memref<1x8x4096xf32, #tpu.memory_space<vmem>>
    %dma_wait3A_237 = tpu.memref_squeeze %dma_wait3A_236 : memref<1x8x4096xf32, #tpu.memory_space<vmem>> -> memref<8x4096xf32, #tpu.memory_space<vmem>>
    %dma_wait3A_238 = arith.constant 0 : i32
    %dma_wait3A_239 = tpu.memref_slice %arg4[%add3A_232, %dma_wait3A_238] : memref<4096x4096xf32, #tpu.memory_space<hbm>> -> memref<8x4096xf32, #tpu.memory_space<hbm>>
    %dma_wait3A_240 = arith.constant 0 : i32
    %dma_wait3A_241 = tpu.memref_slice %arg4[%add3A_232, %dma_wait3A_240] : memref<4096x4096xf32, #tpu.memory_space<hbm>> -> memref<8x4096xf32, #tpu.memory_space<hbm>>
    %dma_wait3A_242 = arith.constant 0 : i32
    %dma_wait3A_243 = arith.constant 0 : i32
    %dma_wait3A_244 = tpu.memref_slice %arg6[%dma_wait3A_233, %dma_wait3A_242, %dma_wait3A_243] : memref<3x8x4096xf32, #tpu.memory_space<vmem>> -> memref<1x8x4096xf32, #tpu.memory_space<vmem>>
    %dma_wait3A_245 = tpu.memref_squeeze %dma_wait3A_244 : memref<1x8x4096xf32, #tpu.memory_space<vmem>> -> memref<8x4096xf32, #tpu.memory_space<vmem>>
    tpu.wait_dma2 semaphore(%arg8 : memref<!tpu.dma_semaphore, #tpu.memory_space<semaphore_mem>>) src(%dma_wait3A_245 : memref<8x4096xf32, #tpu.memory_space<vmem>>) dst(%dma_wait3A_241 : memref<8x4096xf32, #tpu.memory_space<hbm>>)
    %dma_start3A_246 = arith.constant 0 : i32
    %dma_start3A_247 = arith.constant 0 : i32
    %dma_start3A_248 = arith.constant 0 : i32
    %dma_start3A_249 = tpu.memref_slice %arg6[%dma_start3A_246, %dma_start3A_247, %dma_start3A_248] : memref<3x8x4096xf32, #tpu.memory_space<vmem>> -> memref<1x8x4096xf32, #tpu.memory_space<vmem>>
    %dma_start3A_250 = tpu.memref_squeeze %dma_start3A_249 : memref<1x8x4096xf32, #tpu.memory_space<vmem>> -> memref<8x4096xf32, #tpu.memory_space<vmem>>
    %dma_start3A_251 = arith.constant 48 : i32
    %dma_start3A_252 = tpu.memref_slice %arg5[%dma_start3A_251] : memref<128xi32, #tpu.memory_space<vmem>> -> memref<8xi32, #tpu.memory_space<vmem>>
    %dma_start3A_253 = arith.constant 0 : i32
    %dma_start3A_254 = arith.constant 0 : i32
    %dma_start3A_255 = tpu.memref_slice %arg2[%dma_start3A_253, %dma_start3A_254] : memref<4096x4096xf32, #tpu.memory_space<hbm>> -> memref<4096x4096xf32, #tpu.memory_space<hbm>>
    tpu.enqueue_indirect_dma source(%dma_start3A_255 : memref<4096x4096xf32, #tpu.memory_space<hbm>>) target(%dma_start3A_250 : memref<8x4096xf32, #tpu.memory_space<vmem>>) offsets(%dma_start3A_252 : memref<8xi32, #tpu.memory_space<vmem>>) semaphore(%arg7 : memref<!tpu.dma_semaphore, #tpu.memory_space<semaphore_mem>>)
    %dma_wait3A_256 = arith.constant 2 : i32
    %dma_wait3A_257 = arith.constant 0 : i32
    %dma_wait3A_258 = arith.constant 0 : i32
    %dma_wait3A_259 = tpu.memref_slice %arg6[%dma_wait3A_256, %dma_wait3A_257, %dma_wait3A_258] : memref<3x8x4096xf32, #tpu.memory_space<vmem>> -> memref<1x8x4096xf32, #tpu.memory_space<vmem>>
    %dma_wait3A_260 = tpu.memref_squeeze %dma_wait3A_259 : memref<1x8x4096xf32, #tpu.memory_space<vmem>> -> memref<8x4096xf32, #tpu.memory_space<vmem>>
    %dma_wait3A_261 = arith.constant 40 : i32
    %dma_wait3A_262 = tpu.memref_slice %arg5[%dma_wait3A_261] : memref<128xi32, #tpu.memory_space<vmem>> -> memref<8xi32, #tpu.memory_space<vmem>>
    %dma_wait3A_263 = arith.constant 0 : i32
    %dma_wait3A_264 = arith.constant 0 : i32
    %dma_wait3A_265 = tpu.memref_slice %arg2[%dma_wait3A_263, %dma_wait3A_264] : memref<4096x4096xf32, #tpu.memory_space<hbm>> -> memref<4096x4096xf32, #tpu.memory_space<hbm>>
    tpu.wait_indirect_dma semaphore(%arg7 : memref<!tpu.dma_semaphore, #tpu.memory_space<semaphore_mem>>) src(%dma_wait3A_265 : memref<4096x4096xf32, #tpu.memory_space<hbm>>) dst(%dma_wait3A_260 : memref<8x4096xf32, #tpu.memory_space<vmem>>)
    %add3A_266 = arith.constant 40 : i32
    %add3A_267 = arith.addi %mul3A_2, %add3A_266 : i32
    %dma_start3A_268 = arith.constant 2 : i32
    %dma_start3A_269 = arith.constant 0 : i32
    %dma_start3A_270 = arith.constant 0 : i32
    %dma_start3A_271 = tpu.memref_slice %arg6[%dma_start3A_268, %dma_start3A_269, %dma_start3A_270] : memref<3x8x4096xf32, #tpu.memory_space<vmem>> -> memref<1x8x4096xf32, #tpu.memory_space<vmem>>
    %dma_start3A_272 = tpu.memref_squeeze %dma_start3A_271 : memref<1x8x4096xf32, #tpu.memory_space<vmem>> -> memref<8x4096xf32, #tpu.memory_space<vmem>>
    %dma_start3A_273 = arith.constant 0 : i32
    %dma_start3A_274 = tpu.memref_slice %arg4[%add3A_267, %dma_start3A_273] : memref<4096x4096xf32, #tpu.memory_space<hbm>> -> memref<8x4096xf32, #tpu.memory_space<hbm>>
    %dma_start3A_275 = arith.constant 0 : i32
    %dma_start3A_276 = tpu.memref_slice %arg4[%add3A_267, %dma_start3A_275] : memref<4096x4096xf32, #tpu.memory_space<hbm>> -> memref<8x4096xf32, #tpu.memory_space<hbm>>
    %dma_start3A_277 = arith.constant 0 : i32
    %dma_start3A_278 = arith.constant 0 : i32
    %dma_start3A_279 = tpu.memref_slice %arg6[%dma_start3A_268, %dma_start3A_277, %dma_start3A_278] : memref<3x8x4096xf32, #tpu.memory_space<vmem>> -> memref<1x8x4096xf32, #tpu.memory_space<vmem>>
    %dma_start3A_280 = tpu.memref_squeeze %dma_start3A_279 : memref<1x8x4096xf32, #tpu.memory_space<vmem>> -> memref<8x4096xf32, #tpu.memory_space<vmem>>
    tpu.enqueue_dma source(%dma_start3A_280 : memref<8x4096xf32, #tpu.memory_space<vmem>>) target(%dma_start3A_276 : memref<8x4096xf32, #tpu.memory_space<hbm>>) target_semaphore(%arg8 : memref<!tpu.dma_semaphore, #tpu.memory_space<semaphore_mem>>)
    %add3A_281 = arith.constant 32 : i32
    %add3A_282 = arith.addi %mul3A_2, %add3A_281 : i32
    %dma_wait3A_283 = arith.constant 1 : i32
    %dma_wait3A_284 = arith.constant 0 : i32
    %dma_wait3A_285 = arith.constant 0 : i32
    %dma_wait3A_286 = tpu.memref_slice %arg6[%dma_wait3A_283, %dma_wait3A_284, %dma_wait3A_285] : memref<3x8x4096xf32, #tpu.memory_space<vmem>> -> memref<1x8x4096xf32, #tpu.memory_space<vmem>>
    %dma_wait3A_287 = tpu.memref_squeeze %dma_wait3A_286 : memref<1x8x4096xf32, #tpu.memory_space<vmem>> -> memref<8x4096xf32, #tpu.memory_space<vmem>>
    %dma_wait3A_288 = arith.constant 0 : i32
    %dma_wait3A_289 = tpu.memref_slice %arg4[%add3A_282, %dma_wait3A_288] : memref<4096x4096xf32, #tpu.memory_space<hbm>> -> memref<8x4096xf32, #tpu.memory_space<hbm>>
    %dma_wait3A_290 = arith.constant 0 : i32
    %dma_wait3A_291 = tpu.memref_slice %arg4[%add3A_282, %dma_wait3A_290] : memref<4096x4096xf32, #tpu.memory_space<hbm>> -> memref<8x4096xf32, #tpu.memory_space<hbm>>
    %dma_wait3A_292 = arith.constant 0 : i32
    %dma_wait3A_293 = arith.constant 0 : i32
    %dma_wait3A_294 = tpu.memref_slice %arg6[%dma_wait3A_283, %dma_wait3A_292, %dma_wait3A_293] : memref<3x8x4096xf32, #tpu.memory_space<vmem>> -> memref<1x8x4096xf32, #tpu.memory_space<vmem>>
    %dma_wait3A_295 = tpu.memref_squeeze %dma_wait3A_294 : memref<1x8x4096xf32, #tpu.memory_space<vmem>> -> memref<8x4096xf32, #tpu.memory_space<vmem>>
    tpu.wait_dma2 semaphore(%arg8 : memref<!tpu.dma_semaphore, #tpu.memory_space<semaphore_mem>>) src(%dma_wait3A_295 : memref<8x4096xf32, #tpu.memory_space<vmem>>) dst(%dma_wait3A_291 : memref<8x4096xf32, #tpu.memory_space<hbm>>)
    %dma_start3A_296 = arith.constant 1 : i32
    %dma_start3A_297 = arith.constant 0 : i32
    %dma_start3A_298 = arith.constant 0 : i32
    %dma_start3A_299 = tpu.memref_slice %arg6[%dma_start3A_296, %dma_start3A_297, %dma_start3A_298] : memref<3x8x4096xf32, #tpu.memory_space<vmem>> -> memref<1x8x4096xf32, #tpu.memory_space<vmem>>
    %dma_start3A_300 = tpu.memref_squeeze %dma_start3A_299 : memref<1x8x4096xf32, #tpu.memory_space<vmem>> -> memref<8x4096xf32, #tpu.memory_space<vmem>>
    %dma_start3A_301 = arith.constant 56 : i32
    %dma_start3A_302 = tpu.memref_slice %arg5[%dma_start3A_301] : memref<128xi32, #tpu.memory_space<vmem>> -> memref<8xi32, #tpu.memory_space<vmem>>
    %dma_start3A_303 = arith.constant 0 : i32
    %dma_start3A_304 = arith.constant 0 : i32
    %dma_start3A_305 = tpu.memref_slice %arg2[%dma_start3A_303, %dma_start3A_304] : memref<4096x4096xf32, #tpu.memory_space<hbm>> -> memref<4096x4096xf32, #tpu.memory_space<hbm>>
    tpu.enqueue_indirect_dma source(%dma_start3A_305 : memref<4096x4096xf32, #tpu.memory_space<hbm>>) target(%dma_start3A_300 : memref<8x4096xf32, #tpu.memory_space<vmem>>) offsets(%dma_start3A_302 : memref<8xi32, #tpu.memory_space<vmem>>) semaphore(%arg7 : memref<!tpu.dma_semaphore, #tpu.memory_space<semaphore_mem>>)
    %dma_wait3A_306 = arith.constant 0 : i32
    %dma_wait3A_307 = arith.constant 0 : i32
    %dma_wait3A_308 = arith.constant 0 : i32
    %dma_wait3A_309 = tpu.memref_slice %arg6[%dma_wait3A_306, %dma_wait3A_307, %dma_wait3A_308] : memref<3x8x4096xf32, #tpu.memory_space<vmem>> -> memref<1x8x4096xf32, #tpu.memory_space<vmem>>
    %dma_wait3A_310 = tpu.memref_squeeze %dma_wait3A_309 : memref<1x8x4096xf32, #tpu.memory_space<vmem>> -> memref<8x4096xf32, #tpu.memory_space<vmem>>
    %dma_wait3A_311 = arith.constant 48 : i32
    %dma_wait3A_312 = tpu.memref_slice %arg5[%dma_wait3A_311] : memref<128xi32, #tpu.memory_space<vmem>> -> memref<8xi32, #tpu.memory_space<vmem>>
    %dma_wait3A_313 = arith.constant 0 : i32
    %dma_wait3A_314 = arith.constant 0 : i32
    %dma_wait3A_315 = tpu.memref_slice %arg2[%dma_wait3A_313, %dma_wait3A_314] : memref<4096x4096xf32, #tpu.memory_space<hbm>> -> memref<4096x4096xf32, #tpu.memory_space<hbm>>
    tpu.wait_indirect_dma semaphore(%arg7 : memref<!tpu.dma_semaphore, #tpu.memory_space<semaphore_mem>>) src(%dma_wait3A_315 : memref<4096x4096xf32, #tpu.memory_space<hbm>>) dst(%dma_wait3A_310 : memref<8x4096xf32, #tpu.memory_space<vmem>>)
    %add3A_316 = arith.constant 48 : i32
    %add3A_317 = arith.addi %mul3A_2, %add3A_316 : i32
    %dma_start3A_318 = arith.constant 0 : i32
    %dma_start3A_319 = arith.constant 0 : i32
    %dma_start3A_320 = arith.constant 0 : i32
    %dma_start3A_321 = tpu.memref_slice %arg6[%dma_start3A_318, %dma_start3A_319, %dma_start3A_320] : memref<3x8x4096xf32, #tpu.memory_space<vmem>> -> memref<1x8x4096xf32, #tpu.memory_space<vmem>>
    %dma_start3A_322 = tpu.memref_squeeze %dma_start3A_321 : memref<1x8x4096xf32, #tpu.memory_space<vmem>> -> memref<8x4096xf32, #tpu.memory_space<vmem>>
    %dma_start3A_323 = arith.constant 0 : i32
    %dma_start3A_324 = tpu.memref_slice %arg4[%add3A_317, %dma_start3A_323] : memref<4096x4096xf32, #tpu.memory_space<hbm>> -> memref<8x4096xf32, #tpu.memory_space<hbm>>
    %dma_start3A_325 = arith.constant 0 : i32
    %dma_start3A_326 = tpu.memref_slice %arg4[%add3A_317, %dma_start3A_325] : memref<4096x4096xf32, #tpu.memory_space<hbm>> -> memref<8x4096xf32, #tpu.memory_space<hbm>>
    %dma_start3A_327 = arith.constant 0 : i32
    %dma_start3A_328 = arith.constant 0 : i32
    %dma_start3A_329 = tpu.memref_slice %arg6[%dma_start3A_318, %dma_start3A_327, %dma_start3A_328] : memref<3x8x4096xf32, #tpu.memory_space<vmem>> -> memref<1x8x4096xf32, #tpu.memory_space<vmem>>
    %dma_start3A_330 = tpu.memref_squeeze %dma_start3A_329 : memref<1x8x4096xf32, #tpu.memory_space<vmem>> -> memref<8x4096xf32, #tpu.memory_space<vmem>>
    tpu.enqueue_dma source(%dma_start3A_330 : memref<8x4096xf32, #tpu.memory_space<vmem>>) target(%dma_start3A_326 : memref<8x4096xf32, #tpu.memory_space<hbm>>) target_semaphore(%arg8 : memref<!tpu.dma_semaphore, #tpu.memory_space<semaphore_mem>>)
    %add3A_331 = arith.constant 40 : i32
    %add3A_332 = arith.addi %mul3A_2, %add3A_331 : i32
    %dma_wait3A_333 = arith.constant 2 : i32
    %dma_wait3A_334 = arith.constant 0 : i32
    %dma_wait3A_335 = arith.constant 0 : i32
    %dma_wait3A_336 = tpu.memref_slice %arg6[%dma_wait3A_333, %dma_wait3A_334, %dma_wait3A_335] : memref<3x8x4096xf32, #tpu.memory_space<vmem>> -> memref<1x8x4096xf32, #tpu.memory_space<vmem>>
    %dma_wait3A_337 = tpu.memref_squeeze %dma_wait3A_336 : memref<1x8x4096xf32, #tpu.memory_space<vmem>> -> memref<8x4096xf32, #tpu.memory_space<vmem>>
    %dma_wait3A_338 = arith.constant 0 : i32
    %dma_wait3A_339 = tpu.memref_slice %arg4[%add3A_332, %dma_wait3A_338] : memref<4096x4096xf32, #tpu.memory_space<hbm>> -> memref<8x4096xf32, #tpu.memory_space<hbm>>
    %dma_wait3A_340 = arith.constant 0 : i32
    %dma_wait3A_341 = tpu.memref_slice %arg4[%add3A_332, %dma_wait3A_340] : memref<4096x4096xf32, #tpu.memory_space<hbm>> -> memref<8x4096xf32, #tpu.memory_space<hbm>>
    %dma_wait3A_342 = arith.constant 0 : i32
    %dma_wait3A_343 = arith.constant 0 : i32
    %dma_wait3A_344 = tpu.memref_slice %arg6[%dma_wait3A_333, %dma_wait3A_342, %dma_wait3A_343] : memref<3x8x4096xf32, #tpu.memory_space<vmem>> -> memref<1x8x4096xf32, #tpu.memory_space<vmem>>
    %dma_wait3A_345 = tpu.memref_squeeze %dma_wait3A_344 : memref<1x8x4096xf32, #tpu.memory_space<vmem>> -> memref<8x4096xf32, #tpu.memory_space<vmem>>
    tpu.wait_dma2 semaphore(%arg8 : memref<!tpu.dma_semaphore, #tpu.memory_space<semaphore_mem>>) src(%dma_wait3A_345 : memref<8x4096xf32, #tpu.memory_space<vmem>>) dst(%dma_wait3A_341 : memref<8x4096xf32, #tpu.memory_space<hbm>>)
    %dma_start3A_346 = arith.constant 2 : i32
    %dma_start3A_347 = arith.constant 0 : i32
    %dma_start3A_348 = arith.constant 0 : i32
    %dma_start3A_349 = tpu.memref_slice %arg6[%dma_start3A_346, %dma_start3A_347, %dma_start3A_348] : memref<3x8x4096xf32, #tpu.memory_space<vmem>> -> memref<1x8x4096xf32, #tpu.memory_space<vmem>>
    %dma_start3A_350 = tpu.memref_squeeze %dma_start3A_349 : memref<1x8x4096xf32, #tpu.memory_space<vmem>> -> memref<8x4096xf32, #tpu.memory_space<vmem>>
    %dma_start3A_351 = arith.constant 64 : i32
    %dma_start3A_352 = tpu.memref_slice %arg5[%dma_start3A_351] : memref<128xi32, #tpu.memory_space<vmem>> -> memref<8xi32, #tpu.memory_space<vmem>>
    %dma_start3A_353 = arith.constant 0 : i32
    %dma_start3A_354 = arith.constant 0 : i32
    %dma_start3A_355 = tpu.memref_slice %arg2[%dma_start3A_353, %dma_start3A_354] : memref<4096x4096xf32, #tpu.memory_space<hbm>> -> memref<4096x4096xf32, #tpu.memory_space<hbm>>
    tpu.enqueue_indirect_dma source(%dma_start3A_355 : memref<4096x4096xf32, #tpu.memory_space<hbm>>) target(%dma_start3A_350 : memref<8x4096xf32, #tpu.memory_space<vmem>>) offsets(%dma_start3A_352 : memref<8xi32, #tpu.memory_space<vmem>>) semaphore(%arg7 : memref<!tpu.dma_semaphore, #tpu.memory_space<semaphore_mem>>)
    %dma_wait3A_356 = arith.constant 1 : i32
    %dma_wait3A_357 = arith.constant 0 : i32
    %dma_wait3A_358 = arith.constant 0 : i32
    %dma_wait3A_359 = tpu.memref_slice %arg6[%dma_wait3A_356, %dma_wait3A_357, %dma_wait3A_358] : memref<3x8x4096xf32, #tpu.memory_space<vmem>> -> memref<1x8x4096xf32, #tpu.memory_space<vmem>>
    %dma_wait3A_360 = tpu.memref_squeeze %dma_wait3A_359 : memref<1x8x4096xf32, #tpu.memory_space<vmem>> -> memref<8x4096xf32, #tpu.memory_space<vmem>>
    %dma_wait3A_361 = arith.constant 56 : i32
    %dma_wait3A_362 = tpu.memref_slice %arg5[%dma_wait3A_361] : memref<128xi32, #tpu.memory_space<vmem>> -> memref<8xi32, #tpu.memory_space<vmem>>
    %dma_wait3A_363 = arith.constant 0 : i32
    %dma_wait3A_364 = arith.constant 0 : i32
    %dma_wait3A_365 = tpu.memref_slice %arg2[%dma_wait3A_363, %dma_wait3A_364] : memref<4096x4096xf32, #tpu.memory_space<hbm>> -> memref<4096x4096xf32, #tpu.memory_space<hbm>>
    tpu.wait_indirect_dma semaphore(%arg7 : memref<!tpu.dma_semaphore, #tpu.memory_space<semaphore_mem>>) src(%dma_wait3A_365 : memref<4096x4096xf32, #tpu.memory_space<hbm>>) dst(%dma_wait3A_360 : memref<8x4096xf32, #tpu.memory_space<vmem>>)
    %add3A_366 = arith.constant 56 : i32
    %add3A_367 = arith.addi %mul3A_2, %add3A_366 : i32
    %dma_start3A_368 = arith.constant 1 : i32
    %dma_start3A_369 = arith.constant 0 : i32
    %dma_start3A_370 = arith.constant 0 : i32
    %dma_start3A_371 = tpu.memref_slice %arg6[%dma_start3A_368, %dma_start3A_369, %dma_start3A_370] : memref<3x8x4096xf32, #tpu.memory_space<vmem>> -> memref<1x8x4096xf32, #tpu.memory_space<vmem>>
    %dma_start3A_372 = tpu.memref_squeeze %dma_start3A_371 : memref<1x8x4096xf32, #tpu.memory_space<vmem>> -> memref<8x4096xf32, #tpu.memory_space<vmem>>
    %dma_start3A_373 = arith.constant 0 : i32
    %dma_start3A_374 = tpu.memref_slice %arg4[%add3A_367, %dma_start3A_373] : memref<4096x4096xf32, #tpu.memory_space<hbm>> -> memref<8x4096xf32, #tpu.memory_space<hbm>>
    %dma_start3A_375 = arith.constant 0 : i32
    %dma_start3A_376 = tpu.memref_slice %arg4[%add3A_367, %dma_start3A_375] : memref<4096x4096xf32, #tpu.memory_space<hbm>> -> memref<8x4096xf32, #tpu.memory_space<hbm>>
    %dma_start3A_377 = arith.constant 0 : i32
    %dma_start3A_378 = arith.constant 0 : i32
    %dma_start3A_379 = tpu.memref_slice %arg6[%dma_start3A_368, %dma_start3A_377, %dma_start3A_378] : memref<3x8x4096xf32, #tpu.memory_space<vmem>> -> memref<1x8x4096xf32, #tpu.memory_space<vmem>>
    %dma_start3A_380 = tpu.memref_squeeze %dma_start3A_379 : memref<1x8x4096xf32, #tpu.memory_space<vmem>> -> memref<8x4096xf32, #tpu.memory_space<vmem>>
    tpu.enqueue_dma source(%dma_start3A_380 : memref<8x4096xf32, #tpu.memory_space<vmem>>) target(%dma_start3A_376 : memref<8x4096xf32, #tpu.memory_space<hbm>>) target_semaphore(%arg8 : memref<!tpu.dma_semaphore, #tpu.memory_space<semaphore_mem>>)
    %add3A_381 = arith.constant 48 : i32
    %add3A_382 = arith.addi %mul3A_2, %add3A_381 : i32
    %dma_wait3A_383 = arith.constant 0 : i32
    %dma_wait3A_384 = arith.constant 0 : i32
    %dma_wait3A_385 = arith.constant 0 : i32
    %dma_wait3A_386 = tpu.memref_slice %arg6[%dma_wait3A_383, %dma_wait3A_384, %dma_wait3A_385] : memref<3x8x4096xf32, #tpu.memory_space<vmem>> -> memref<1x8x4096xf32, #tpu.memory_space<vmem>>
    %dma_wait3A_387 = tpu.memref_squeeze %dma_wait3A_386 : memref<1x8x4096xf32, #tpu.memory_space<vmem>> -> memref<8x4096xf32, #tpu.memory_space<vmem>>
    %dma_wait3A_388 = arith.constant 0 : i32
    %dma_wait3A_389 = tpu.memref_slice %arg4[%add3A_382, %dma_wait3A_388] : memref<4096x4096xf32, #tpu.memory_space<hbm>> -> memref<8x4096xf32, #tpu.memory_space<hbm>>
    %dma_wait3A_390 = arith.constant 0 : i32
    %dma_wait3A_391 = tpu.memref_slice %arg4[%add3A_382, %dma_wait3A_390] : memref<4096x4096xf32, #tpu.memory_space<hbm>> -> memref<8x4096xf32, #tpu.memory_space<hbm>>
    %dma_wait3A_392 = arith.constant 0 : i32
    %dma_wait3A_393 = arith.constant 0 : i32
    %dma_wait3A_394 = tpu.memref_slice %arg6[%dma_wait3A_383, %dma_wait3A_392, %dma_wait3A_393] : memref<3x8x4096xf32, #tpu.memory_space<vmem>> -> memref<1x8x4096xf32, #tpu.memory_space<vmem>>
    %dma_wait3A_395 = tpu.memref_squeeze %dma_wait3A_394 : memref<1x8x4096xf32, #tpu.memory_space<vmem>> -> memref<8x4096xf32, #tpu.memory_space<vmem>>
    tpu.wait_dma2 semaphore(%arg8 : memref<!tpu.dma_semaphore, #tpu.memory_space<semaphore_mem>>) src(%dma_wait3A_395 : memref<8x4096xf32, #tpu.memory_space<vmem>>) dst(%dma_wait3A_391 : memref<8x4096xf32, #tpu.memory_space<hbm>>)
    %dma_start3A_396 = arith.constant 0 : i32
    %dma_start3A_397 = arith.constant 0 : i32
    %dma_start3A_398 = arith.constant 0 : i32
    %dma_start3A_399 = tpu.memref_slice %arg6[%dma_start3A_396, %dma_start3A_397, %dma_start3A_398] : memref<3x8x4096xf32, #tpu.memory_space<vmem>> -> memref<1x8x4096xf32, #tpu.memory_space<vmem>>
    %dma_start3A_400 = tpu.memref_squeeze %dma_start3A_399 : memref<1x8x4096xf32, #tpu.memory_space<vmem>> -> memref<8x4096xf32, #tpu.memory_space<vmem>>
    %dma_start3A_401 = arith.constant 72 : i32
    %dma_start3A_402 = tpu.memref_slice %arg5[%dma_start3A_401] : memref<128xi32, #tpu.memory_space<vmem>> -> memref<8xi32, #tpu.memory_space<vmem>>
    %dma_start3A_403 = arith.constant 0 : i32
    %dma_start3A_404 = arith.constant 0 : i32
    %dma_start3A_405 = tpu.memref_slice %arg2[%dma_start3A_403, %dma_start3A_404] : memref<4096x4096xf32, #tpu.memory_space<hbm>> -> memref<4096x4096xf32, #tpu.memory_space<hbm>>
    tpu.enqueue_indirect_dma source(%dma_start3A_405 : memref<4096x4096xf32, #tpu.memory_space<hbm>>) target(%dma_start3A_400 : memref<8x4096xf32, #tpu.memory_space<vmem>>) offsets(%dma_start3A_402 : memref<8xi32, #tpu.memory_space<vmem>>) semaphore(%arg7 : memref<!tpu.dma_semaphore, #tpu.memory_space<semaphore_mem>>)
    %dma_wait3A_406 = arith.constant 2 : i32
    %dma_wait3A_407 = arith.constant 0 : i32
    %dma_wait3A_408 = arith.constant 0 : i32
    %dma_wait3A_409 = tpu.memref_slice %arg6[%dma_wait3A_406, %dma_wait3A_407, %dma_wait3A_408] : memref<3x8x4096xf32, #tpu.memory_space<vmem>> -> memref<1x8x4096xf32, #tpu.memory_space<vmem>>
    %dma_wait3A_410 = tpu.memref_squeeze %dma_wait3A_409 : memref<1x8x4096xf32, #tpu.memory_space<vmem>> -> memref<8x4096xf32, #tpu.memory_space<vmem>>
    %dma_wait3A_411 = arith.constant 64 : i32
    %dma_wait3A_412 = tpu.memref_slice %arg5[%dma_wait3A_411] : memref<128xi32, #tpu.memory_space<vmem>> -> memref<8xi32, #tpu.memory_space<vmem>>
    %dma_wait3A_413 = arith.constant 0 : i32
    %dma_wait3A_414 = arith.constant 0 : i32
    %dma_wait3A_415 = tpu.memref_slice %arg2[%dma_wait3A_413, %dma_wait3A_414] : memref<4096x4096xf32, #tpu.memory_space<hbm>> -> memref<4096x4096xf32, #tpu.memory_space<hbm>>
    tpu.wait_indirect_dma semaphore(%arg7 : memref<!tpu.dma_semaphore, #tpu.memory_space<semaphore_mem>>) src(%dma_wait3A_415 : memref<4096x4096xf32, #tpu.memory_space<hbm>>) dst(%dma_wait3A_410 : memref<8x4096xf32, #tpu.memory_space<vmem>>)
    %add3A_416 = arith.constant 64 : i32
    %add3A_417 = arith.addi %mul3A_2, %add3A_416 : i32
    %dma_start3A_418 = arith.constant 2 : i32
    %dma_start3A_419 = arith.constant 0 : i32
    %dma_start3A_420 = arith.constant 0 : i32
    %dma_start3A_421 = tpu.memref_slice %arg6[%dma_start3A_418, %dma_start3A_419, %dma_start3A_420] : memref<3x8x4096xf32, #tpu.memory_space<vmem>> -> memref<1x8x4096xf32, #tpu.memory_space<vmem>>
    %dma_start3A_422 = tpu.memref_squeeze %dma_start3A_421 : memref<1x8x4096xf32, #tpu.memory_space<vmem>> -> memref<8x4096xf32, #tpu.memory_space<vmem>>
    %dma_start3A_423 = arith.constant 0 : i32
    %dma_start3A_424 = tpu.memref_slice %arg4[%add3A_417, %dma_start3A_423] : memref<4096x4096xf32, #tpu.memory_space<hbm>> -> memref<8x4096xf32, #tpu.memory_space<hbm>>
    %dma_start3A_425 = arith.constant 0 : i32
    %dma_start3A_426 = tpu.memref_slice %arg4[%add3A_417, %dma_start3A_425] : memref<4096x4096xf32, #tpu.memory_space<hbm>> -> memref<8x4096xf32, #tpu.memory_space<hbm>>
    %dma_start3A_427 = arith.constant 0 : i32
    %dma_start3A_428 = arith.constant 0 : i32
    %dma_start3A_429 = tpu.memref_slice %arg6[%dma_start3A_418, %dma_start3A_427, %dma_start3A_428] : memref<3x8x4096xf32, #tpu.memory_space<vmem>> -> memref<1x8x4096xf32, #tpu.memory_space<vmem>>
    %dma_start3A_430 = tpu.memref_squeeze %dma_start3A_429 : memref<1x8x4096xf32, #tpu.memory_space<vmem>> -> memref<8x4096xf32, #tpu.memory_space<vmem>>
    tpu.enqueue_dma source(%dma_start3A_430 : memref<8x4096xf32, #tpu.memory_space<vmem>>) target(%dma_start3A_426 : memref<8x4096xf32, #tpu.memory_space<hbm>>) target_semaphore(%arg8 : memref<!tpu.dma_semaphore, #tpu.memory_space<semaphore_mem>>)
    %add3A_431 = arith.constant 56 : i32
    %add3A_432 = arith.addi %mul3A_2, %add3A_431 : i32
    %dma_wait3A_433 = arith.constant 1 : i32
    %dma_wait3A_434 = arith.constant 0 : i32
    %dma_wait3A_435 = arith.constant 0 : i32
    %dma_wait3A_436 = tpu.memref_slice %arg6[%dma_wait3A_433, %dma_wait3A_434, %dma_wait3A_435] : memref<3x8x4096xf32, #tpu.memory_space<vmem>> -> memref<1x8x4096xf32, #tpu.memory_space<vmem>>
    %dma_wait3A_437 = tpu.memref_squeeze %dma_wait3A_436 : memref<1x8x4096xf32, #tpu.memory_space<vmem>> -> memref<8x4096xf32, #tpu.memory_space<vmem>>
    %dma_wait3A_438 = arith.constant 0 : i32
    %dma_wait3A_439 = tpu.memref_slice %arg4[%add3A_432, %dma_wait3A_438] : memref<4096x4096xf32, #tpu.memory_space<hbm>> -> memref<8x4096xf32, #tpu.memory_space<hbm>>
    %dma_wait3A_440 = arith.constant 0 : i32
    %dma_wait3A_441 = tpu.memref_slice %arg4[%add3A_432, %dma_wait3A_440] : memref<4096x4096xf32, #tpu.memory_space<hbm>> -> memref<8x4096xf32, #tpu.memory_space<hbm>>
    %dma_wait3A_442 = arith.constant 0 : i32
    %dma_wait3A_443 = arith.constant 0 : i32
    %dma_wait3A_444 = tpu.memref_slice %arg6[%dma_wait3A_433, %dma_wait3A_442, %dma_wait3A_443] : memref<3x8x4096xf32, #tpu.memory_space<vmem>> -> memref<1x8x4096xf32, #tpu.memory_space<vmem>>
    %dma_wait3A_445 = tpu.memref_squeeze %dma_wait3A_444 : memref<1x8x4096xf32, #tpu.memory_space<vmem>> -> memref<8x4096xf32, #tpu.memory_space<vmem>>
    tpu.wait_dma2 semaphore(%arg8 : memref<!tpu.dma_semaphore, #tpu.memory_space<semaphore_mem>>) src(%dma_wait3A_445 : memref<8x4096xf32, #tpu.memory_space<vmem>>) dst(%dma_wait3A_441 : memref<8x4096xf32, #tpu.memory_space<hbm>>)
    %dma_start3A_446 = arith.constant 1 : i32
    %dma_start3A_447 = arith.constant 0 : i32
    %dma_start3A_448 = arith.constant 0 : i32
    %dma_start3A_449 = tpu.memref_slice %arg6[%dma_start3A_446, %dma_start3A_447, %dma_start3A_448] : memref<3x8x4096xf32, #tpu.memory_space<vmem>> -> memref<1x8x4096xf32, #tpu.memory_space<vmem>>
    %dma_start3A_450 = tpu.memref_squeeze %dma_start3A_449 : memref<1x8x4096xf32, #tpu.memory_space<vmem>> -> memref<8x4096xf32, #tpu.memory_space<vmem>>
    %dma_start3A_451 = arith.constant 80 : i32
    %dma_start3A_452 = tpu.memref_slice %arg5[%dma_start3A_451] : memref<128xi32, #tpu.memory_space<vmem>> -> memref<8xi32, #tpu.memory_space<vmem>>
    %dma_start3A_453 = arith.constant 0 : i32
    %dma_start3A_454 = arith.constant 0 : i32
    %dma_start3A_455 = tpu.memref_slice %arg2[%dma_start3A_453, %dma_start3A_454] : memref<4096x4096xf32, #tpu.memory_space<hbm>> -> memref<4096x4096xf32, #tpu.memory_space<hbm>>
    tpu.enqueue_indirect_dma source(%dma_start3A_455 : memref<4096x4096xf32, #tpu.memory_space<hbm>>) target(%dma_start3A_450 : memref<8x4096xf32, #tpu.memory_space<vmem>>) offsets(%dma_start3A_452 : memref<8xi32, #tpu.memory_space<vmem>>) semaphore(%arg7 : memref<!tpu.dma_semaphore, #tpu.memory_space<semaphore_mem>>)
    %dma_wait3A_456 = arith.constant 0 : i32
    %dma_wait3A_457 = arith.constant 0 : i32
    %dma_wait3A_458 = arith.constant 0 : i32
    %dma_wait3A_459 = tpu.memref_slice %arg6[%dma_wait3A_456, %dma_wait3A_457, %dma_wait3A_458] : memref<3x8x4096xf32, #tpu.memory_space<vmem>> -> memref<1x8x4096xf32, #tpu.memory_space<vmem>>
    %dma_wait3A_460 = tpu.memref_squeeze %dma_wait3A_459 : memref<1x8x4096xf32, #tpu.memory_space<vmem>> -> memref<8x4096xf32, #tpu.memory_space<vmem>>
    %dma_wait3A_461 = arith.constant 72 : i32
    %dma_wait3A_462 = tpu.memref_slice %arg5[%dma_wait3A_461] : memref<128xi32, #tpu.memory_space<vmem>> -> memref<8xi32, #tpu.memory_space<vmem>>
    %dma_wait3A_463 = arith.constant 0 : i32
    %dma_wait3A_464 = arith.constant 0 : i32
    %dma_wait3A_465 = tpu.memref_slice %arg2[%dma_wait3A_463, %dma_wait3A_464] : memref<4096x4096xf32, #tpu.memory_space<hbm>> -> memref<4096x4096xf32, #tpu.memory_space<hbm>>
    tpu.wait_indirect_dma semaphore(%arg7 : memref<!tpu.dma_semaphore, #tpu.memory_space<semaphore_mem>>) src(%dma_wait3A_465 : memref<4096x4096xf32, #tpu.memory_space<hbm>>) dst(%dma_wait3A_460 : memref<8x4096xf32, #tpu.memory_space<vmem>>)
    %add3A_466 = arith.constant 72 : i32
    %add3A_467 = arith.addi %mul3A_2, %add3A_466 : i32
    %dma_start3A_468 = arith.constant 0 : i32
    %dma_start3A_469 = arith.constant 0 : i32
    %dma_start3A_470 = arith.constant 0 : i32
    %dma_start3A_471 = tpu.memref_slice %arg6[%dma_start3A_468, %dma_start3A_469, %dma_start3A_470] : memref<3x8x4096xf32, #tpu.memory_space<vmem>> -> memref<1x8x4096xf32, #tpu.memory_space<vmem>>
    %dma_start3A_472 = tpu.memref_squeeze %dma_start3A_471 : memref<1x8x4096xf32, #tpu.memory_space<vmem>> -> memref<8x4096xf32, #tpu.memory_space<vmem>>
    %dma_start3A_473 = arith.constant 0 : i32
    %dma_start3A_474 = tpu.memref_slice %arg4[%add3A_467, %dma_start3A_473] : memref<4096x4096xf32, #tpu.memory_space<hbm>> -> memref<8x4096xf32, #tpu.memory_space<hbm>>
    %dma_start3A_475 = arith.constant 0 : i32
    %dma_start3A_476 = tpu.memref_slice %arg4[%add3A_467, %dma_start3A_475] : memref<4096x4096xf32, #tpu.memory_space<hbm>> -> memref<8x4096xf32, #tpu.memory_space<hbm>>
    %dma_start3A_477 = arith.constant 0 : i32
    %dma_start3A_478 = arith.constant 0 : i32
    %dma_start3A_479 = tpu.memref_slice %arg6[%dma_start3A_468, %dma_start3A_477, %dma_start3A_478] : memref<3x8x4096xf32, #tpu.memory_space<vmem>> -> memref<1x8x4096xf32, #tpu.memory_space<vmem>>
    %dma_start3A_480 = tpu.memref_squeeze %dma_start3A_479 : memref<1x8x4096xf32, #tpu.memory_space<vmem>> -> memref<8x4096xf32, #tpu.memory_space<vmem>>
    tpu.enqueue_dma source(%dma_start3A_480 : memref<8x4096xf32, #tpu.memory_space<vmem>>) target(%dma_start3A_476 : memref<8x4096xf32, #tpu.memory_space<hbm>>) target_semaphore(%arg8 : memref<!tpu.dma_semaphore, #tpu.memory_space<semaphore_mem>>)
    %add3A_481 = arith.constant 64 : i32
    %add3A_482 = arith.addi %mul3A_2, %add3A_481 : i32
    %dma_wait3A_483 = arith.constant 2 : i32
    %dma_wait3A_484 = arith.constant 0 : i32
    %dma_wait3A_485 = arith.constant 0 : i32
    %dma_wait3A_486 = tpu.memref_slice %arg6[%dma_wait3A_483, %dma_wait3A_484, %dma_wait3A_485] : memref<3x8x4096xf32, #tpu.memory_space<vmem>> -> memref<1x8x4096xf32, #tpu.memory_space<vmem>>
    %dma_wait3A_487 = tpu.memref_squeeze %dma_wait3A_486 : memref<1x8x4096xf32, #tpu.memory_space<vmem>> -> memref<8x4096xf32, #tpu.memory_space<vmem>>
    %dma_wait3A_488 = arith.constant 0 : i32
    %dma_wait3A_489 = tpu.memref_slice %arg4[%add3A_482, %dma_wait3A_488] : memref<4096x4096xf32, #tpu.memory_space<hbm>> -> memref<8x4096xf32, #tpu.memory_space<hbm>>
    %dma_wait3A_490 = arith.constant 0 : i32
    %dma_wait3A_491 = tpu.memref_slice %arg4[%add3A_482, %dma_wait3A_490] : memref<4096x4096xf32, #tpu.memory_space<hbm>> -> memref<8x4096xf32, #tpu.memory_space<hbm>>
    %dma_wait3A_492 = arith.constant 0 : i32
    %dma_wait3A_493 = arith.constant 0 : i32
    %dma_wait3A_494 = tpu.memref_slice %arg6[%dma_wait3A_483, %dma_wait3A_492, %dma_wait3A_493] : memref<3x8x4096xf32, #tpu.memory_space<vmem>> -> memref<1x8x4096xf32, #tpu.memory_space<vmem>>
    %dma_wait3A_495 = tpu.memref_squeeze %dma_wait3A_494 : memref<1x8x4096xf32, #tpu.memory_space<vmem>> -> memref<8x4096xf32, #tpu.memory_space<vmem>>
    tpu.wait_dma2 semaphore(%arg8 : memref<!tpu.dma_semaphore, #tpu.memory_space<semaphore_mem>>) src(%dma_wait3A_495 : memref<8x4096xf32, #tpu.memory_space<vmem>>) dst(%dma_wait3A_491 : memref<8x4096xf32, #tpu.memory_space<hbm>>)
    %dma_start3A_496 = arith.constant 2 : i32
    %dma_start3A_497 = arith.constant 0 : i32
    %dma_start3A_498 = arith.constant 0 : i32
    %dma_start3A_499 = tpu.memref_slice %arg6[%dma_start3A_496, %dma_start3A_497, %dma_start3A_498] : memref<3x8x4096xf32, #tpu.memory_space<vmem>> -> memref<1x8x4096xf32, #tpu.memory_space<vmem>>
    %dma_start3A_500 = tpu.memref_squeeze %dma_start3A_499 : memref<1x8x4096xf32, #tpu.memory_space<vmem>> -> memref<8x4096xf32, #tpu.memory_space<vmem>>
    %dma_start3A_501 = arith.constant 88 : i32
    %dma_start3A_502 = tpu.memref_slice %arg5[%dma_start3A_501] : memref<128xi32, #tpu.memory_space<vmem>> -> memref<8xi32, #tpu.memory_space<vmem>>
    %dma_start3A_503 = arith.constant 0 : i32
    %dma_start3A_504 = arith.constant 0 : i32
    %dma_start3A_505 = tpu.memref_slice %arg2[%dma_start3A_503, %dma_start3A_504] : memref<4096x4096xf32, #tpu.memory_space<hbm>> -> memref<4096x4096xf32, #tpu.memory_space<hbm>>
    tpu.enqueue_indirect_dma source(%dma_start3A_505 : memref<4096x4096xf32, #tpu.memory_space<hbm>>) target(%dma_start3A_500 : memref<8x4096xf32, #tpu.memory_space<vmem>>) offsets(%dma_start3A_502 : memref<8xi32, #tpu.memory_space<vmem>>) semaphore(%arg7 : memref<!tpu.dma_semaphore, #tpu.memory_space<semaphore_mem>>)
    %dma_wait3A_506 = arith.constant 1 : i32
    %dma_wait3A_507 = arith.constant 0 : i32
    %dma_wait3A_508 = arith.constant 0 : i32
    %dma_wait3A_509 = tpu.memref_slice %arg6[%dma_wait3A_506, %dma_wait3A_507, %dma_wait3A_508] : memref<3x8x4096xf32, #tpu.memory_space<vmem>> -> memref<1x8x4096xf32, #tpu.memory_space<vmem>>
    %dma_wait3A_510 = tpu.memref_squeeze %dma_wait3A_509 : memref<1x8x4096xf32, #tpu.memory_space<vmem>> -> memref<8x4096xf32, #tpu.memory_space<vmem>>
    %dma_wait3A_511 = arith.constant 80 : i32
    %dma_wait3A_512 = tpu.memref_slice %arg5[%dma_wait3A_511] : memref<128xi32, #tpu.memory_space<vmem>> -> memref<8xi32, #tpu.memory_space<vmem>>
    %dma_wait3A_513 = arith.constant 0 : i32
    %dma_wait3A_514 = arith.constant 0 : i32
    %dma_wait3A_515 = tpu.memref_slice %arg2[%dma_wait3A_513, %dma_wait3A_514] : memref<4096x4096xf32, #tpu.memory_space<hbm>> -> memref<4096x4096xf32, #tpu.memory_space<hbm>>
    tpu.wait_indirect_dma semaphore(%arg7 : memref<!tpu.dma_semaphore, #tpu.memory_space<semaphore_mem>>) src(%dma_wait3A_515 : memref<4096x4096xf32, #tpu.memory_space<hbm>>) dst(%dma_wait3A_510 : memref<8x4096xf32, #tpu.memory_space<vmem>>)
    %add3A_516 = arith.constant 80 : i32
    %add3A_517 = arith.addi %mul3A_2, %add3A_516 : i32
    %dma_start3A_518 = arith.constant 1 : i32
    %dma_start3A_519 = arith.constant 0 : i32
    %dma_start3A_520 = arith.constant 0 : i32
    %dma_start3A_521 = tpu.memref_slice %arg6[%dma_start3A_518, %dma_start3A_519, %dma_start3A_520] : memref<3x8x4096xf32, #tpu.memory_space<vmem>> -> memref<1x8x4096xf32, #tpu.memory_space<vmem>>
    %dma_start3A_522 = tpu.memref_squeeze %dma_start3A_521 : memref<1x8x4096xf32, #tpu.memory_space<vmem>> -> memref<8x4096xf32, #tpu.memory_space<vmem>>
    %dma_start3A_523 = arith.constant 0 : i32
    %dma_start3A_524 = tpu.memref_slice %arg4[%add3A_517, %dma_start3A_523] : memref<4096x4096xf32, #tpu.memory_space<hbm>> -> memref<8x4096xf32, #tpu.memory_space<hbm>>
    %dma_start3A_525 = arith.constant 0 : i32
    %dma_start3A_526 = tpu.memref_slice %arg4[%add3A_517, %dma_start3A_525] : memref<4096x4096xf32, #tpu.memory_space<hbm>> -> memref<8x4096xf32, #tpu.memory_space<hbm>>
    %dma_start3A_527 = arith.constant 0 : i32
    %dma_start3A_528 = arith.constant 0 : i32
    %dma_start3A_529 = tpu.memref_slice %arg6[%dma_start3A_518, %dma_start3A_527, %dma_start3A_528] : memref<3x8x4096xf32, #tpu.memory_space<vmem>> -> memref<1x8x4096xf32, #tpu.memory_space<vmem>>
    %dma_start3A_530 = tpu.memref_squeeze %dma_start3A_529 : memref<1x8x4096xf32, #tpu.memory_space<vmem>> -> memref<8x4096xf32, #tpu.memory_space<vmem>>
    tpu.enqueue_dma source(%dma_start3A_530 : memref<8x4096xf32, #tpu.memory_space<vmem>>) target(%dma_start3A_526 : memref<8x4096xf32, #tpu.memory_space<hbm>>) target_semaphore(%arg8 : memref<!tpu.dma_semaphore, #tpu.memory_space<semaphore_mem>>)
    %add3A_531 = arith.constant 72 : i32
    %add3A_532 = arith.addi %mul3A_2, %add3A_531 : i32
    %dma_wait3A_533 = arith.constant 0 : i32
    %dma_wait3A_534 = arith.constant 0 : i32
    %dma_wait3A_535 = arith.constant 0 : i32
    %dma_wait3A_536 = tpu.memref_slice %arg6[%dma_wait3A_533, %dma_wait3A_534, %dma_wait3A_535] : memref<3x8x4096xf32, #tpu.memory_space<vmem>> -> memref<1x8x4096xf32, #tpu.memory_space<vmem>>
    %dma_wait3A_537 = tpu.memref_squeeze %dma_wait3A_536 : memref<1x8x4096xf32, #tpu.memory_space<vmem>> -> memref<8x4096xf32, #tpu.memory_space<vmem>>
    %dma_wait3A_538 = arith.constant 0 : i32
    %dma_wait3A_539 = tpu.memref_slice %arg4[%add3A_532, %dma_wait3A_538] : memref<4096x4096xf32, #tpu.memory_space<hbm>> -> memref<8x4096xf32, #tpu.memory_space<hbm>>
    %dma_wait3A_540 = arith.constant 0 : i32
    %dma_wait3A_541 = tpu.memref_slice %arg4[%add3A_532, %dma_wait3A_540] : memref<4096x4096xf32, #tpu.memory_space<hbm>> -> memref<8x4096xf32, #tpu.memory_space<hbm>>
    %dma_wait3A_542 = arith.constant 0 : i32
    %dma_wait3A_543 = arith.constant 0 : i32
    %dma_wait3A_544 = tpu.memref_slice %arg6[%dma_wait3A_533, %dma_wait3A_542, %dma_wait3A_543] : memref<3x8x4096xf32, #tpu.memory_space<vmem>> -> memref<1x8x4096xf32, #tpu.memory_space<vmem>>
    %dma_wait3A_545 = tpu.memref_squeeze %dma_wait3A_544 : memref<1x8x4096xf32, #tpu.memory_space<vmem>> -> memref<8x4096xf32, #tpu.memory_space<vmem>>
    tpu.wait_dma2 semaphore(%arg8 : memref<!tpu.dma_semaphore, #tpu.memory_space<semaphore_mem>>) src(%dma_wait3A_545 : memref<8x4096xf32, #tpu.memory_space<vmem>>) dst(%dma_wait3A_541 : memref<8x4096xf32, #tpu.memory_space<hbm>>)
    %dma_start3A_546 = arith.constant 0 : i32
    %dma_start3A_547 = arith.constant 0 : i32
    %dma_start3A_548 = arith.constant 0 : i32
    %dma_start3A_549 = tpu.memref_slice %arg6[%dma_start3A_546, %dma_start3A_547, %dma_start3A_548] : memref<3x8x4096xf32, #tpu.memory_space<vmem>> -> memref<1x8x4096xf32, #tpu.memory_space<vmem>>
    %dma_start3A_550 = tpu.memref_squeeze %dma_start3A_549 : memref<1x8x4096xf32, #tpu.memory_space<vmem>> -> memref<8x4096xf32, #tpu.memory_space<vmem>>
    %dma_start3A_551 = arith.constant 96 : i32
    %dma_start3A_552 = tpu.memref_slice %arg5[%dma_start3A_551] : memref<128xi32, #tpu.memory_space<vmem>> -> memref<8xi32, #tpu.memory_space<vmem>>
    %dma_start3A_553 = arith.constant 0 : i32
    %dma_start3A_554 = arith.constant 0 : i32
    %dma_start3A_555 = tpu.memref_slice %arg2[%dma_start3A_553, %dma_start3A_554] : memref<4096x4096xf32, #tpu.memory_space<hbm>> -> memref<4096x4096xf32, #tpu.memory_space<hbm>>
    tpu.enqueue_indirect_dma source(%dma_start3A_555 : memref<4096x4096xf32, #tpu.memory_space<hbm>>) target(%dma_start3A_550 : memref<8x4096xf32, #tpu.memory_space<vmem>>) offsets(%dma_start3A_552 : memref<8xi32, #tpu.memory_space<vmem>>) semaphore(%arg7 : memref<!tpu.dma_semaphore, #tpu.memory_space<semaphore_mem>>)
    %dma_wait3A_556 = arith.constant 2 : i32
    %dma_wait3A_557 = arith.constant 0 : i32
    %dma_wait3A_558 = arith.constant 0 : i32
    %dma_wait3A_559 = tpu.memref_slice %arg6[%dma_wait3A_556, %dma_wait3A_557, %dma_wait3A_558] : memref<3x8x4096xf32, #tpu.memory_space<vmem>> -> memref<1x8x4096xf32, #tpu.memory_space<vmem>>
    %dma_wait3A_560 = tpu.memref_squeeze %dma_wait3A_559 : memref<1x8x4096xf32, #tpu.memory_space<vmem>> -> memref<8x4096xf32, #tpu.memory_space<vmem>>
    %dma_wait3A_561 = arith.constant 88 : i32
    %dma_wait3A_562 = tpu.memref_slice %arg5[%dma_wait3A_561] : memref<128xi32, #tpu.memory_space<vmem>> -> memref<8xi32, #tpu.memory_space<vmem>>
    %dma_wait3A_563 = arith.constant 0 : i32
    %dma_wait3A_564 = arith.constant 0 : i32
    %dma_wait3A_565 = tpu.memref_slice %arg2[%dma_wait3A_563, %dma_wait3A_564] : memref<4096x4096xf32, #tpu.memory_space<hbm>> -> memref<4096x4096xf32, #tpu.memory_space<hbm>>
    tpu.wait_indirect_dma semaphore(%arg7 : memref<!tpu.dma_semaphore, #tpu.memory_space<semaphore_mem>>) src(%dma_wait3A_565 : memref<4096x4096xf32, #tpu.memory_space<hbm>>) dst(%dma_wait3A_560 : memref<8x4096xf32, #tpu.memory_space<vmem>>)
    %add3A_566 = arith.constant 88 : i32
    %add3A_567 = arith.addi %mul3A_2, %add3A_566 : i32
    %dma_start3A_568 = arith.constant 2 : i32
    %dma_start3A_569 = arith.constant 0 : i32
    %dma_start3A_570 = arith.constant 0 : i32
    %dma_start3A_571 = tpu.memref_slice %arg6[%dma_start3A_568, %dma_start3A_569, %dma_start3A_570] : memref<3x8x4096xf32, #tpu.memory_space<vmem>> -> memref<1x8x4096xf32, #tpu.memory_space<vmem>>
    %dma_start3A_572 = tpu.memref_squeeze %dma_start3A_571 : memref<1x8x4096xf32, #tpu.memory_space<vmem>> -> memref<8x4096xf32, #tpu.memory_space<vmem>>
    %dma_start3A_573 = arith.constant 0 : i32
    %dma_start3A_574 = tpu.memref_slice %arg4[%add3A_567, %dma_start3A_573] : memref<4096x4096xf32, #tpu.memory_space<hbm>> -> memref<8x4096xf32, #tpu.memory_space<hbm>>
    %dma_start3A_575 = arith.constant 0 : i32
    %dma_start3A_576 = tpu.memref_slice %arg4[%add3A_567, %dma_start3A_575] : memref<4096x4096xf32, #tpu.memory_space<hbm>> -> memref<8x4096xf32, #tpu.memory_space<hbm>>
    %dma_start3A_577 = arith.constant 0 : i32
    %dma_start3A_578 = arith.constant 0 : i32
    %dma_start3A_579 = tpu.memref_slice %arg6[%dma_start3A_568, %dma_start3A_577, %dma_start3A_578] : memref<3x8x4096xf32, #tpu.memory_space<vmem>> -> memref<1x8x4096xf32, #tpu.memory_space<vmem>>
    %dma_start3A_580 = tpu.memref_squeeze %dma_start3A_579 : memref<1x8x4096xf32, #tpu.memory_space<vmem>> -> memref<8x4096xf32, #tpu.memory_space<vmem>>
    tpu.enqueue_dma source(%dma_start3A_580 : memref<8x4096xf32, #tpu.memory_space<vmem>>) target(%dma_start3A_576 : memref<8x4096xf32, #tpu.memory_space<hbm>>) target_semaphore(%arg8 : memref<!tpu.dma_semaphore, #tpu.memory_space<semaphore_mem>>)
    %add3A_581 = arith.constant 80 : i32
    %add3A_582 = arith.addi %mul3A_2, %add3A_581 : i32
    %dma_wait3A_583 = arith.constant 1 : i32
    %dma_wait3A_584 = arith.constant 0 : i32
    %dma_wait3A_585 = arith.constant 0 : i32
    %dma_wait3A_586 = tpu.memref_slice %arg6[%dma_wait3A_583, %dma_wait3A_584, %dma_wait3A_585] : memref<3x8x4096xf32, #tpu.memory_space<vmem>> -> memref<1x8x4096xf32, #tpu.memory_space<vmem>>
    %dma_wait3A_587 = tpu.memref_squeeze %dma_wait3A_586 : memref<1x8x4096xf32, #tpu.memory_space<vmem>> -> memref<8x4096xf32, #tpu.memory_space<vmem>>
    %dma_wait3A_588 = arith.constant 0 : i32
    %dma_wait3A_589 = tpu.memref_slice %arg4[%add3A_582, %dma_wait3A_588] : memref<4096x4096xf32, #tpu.memory_space<hbm>> -> memref<8x4096xf32, #tpu.memory_space<hbm>>
    %dma_wait3A_590 = arith.constant 0 : i32
    %dma_wait3A_591 = tpu.memref_slice %arg4[%add3A_582, %dma_wait3A_590] : memref<4096x4096xf32, #tpu.memory_space<hbm>> -> memref<8x4096xf32, #tpu.memory_space<hbm>>
    %dma_wait3A_592 = arith.constant 0 : i32
    %dma_wait3A_593 = arith.constant 0 : i32
    %dma_wait3A_594 = tpu.memref_slice %arg6[%dma_wait3A_583, %dma_wait3A_592, %dma_wait3A_593] : memref<3x8x4096xf32, #tpu.memory_space<vmem>> -> memref<1x8x4096xf32, #tpu.memory_space<vmem>>
    %dma_wait3A_595 = tpu.memref_squeeze %dma_wait3A_594 : memref<1x8x4096xf32, #tpu.memory_space<vmem>> -> memref<8x4096xf32, #tpu.memory_space<vmem>>
    tpu.wait_dma2 semaphore(%arg8 : memref<!tpu.dma_semaphore, #tpu.memory_space<semaphore_mem>>) src(%dma_wait3A_595 : memref<8x4096xf32, #tpu.memory_space<vmem>>) dst(%dma_wait3A_591 : memref<8x4096xf32, #tpu.memory_space<hbm>>)
    %dma_start3A_596 = arith.constant 1 : i32
    %dma_start3A_597 = arith.constant 0 : i32
    %dma_start3A_598 = arith.constant 0 : i32
    %dma_start3A_599 = tpu.memref_slice %arg6[%dma_start3A_596, %dma_start3A_597, %dma_start3A_598] : memref<3x8x4096xf32, #tpu.memory_space<vmem>> -> memref<1x8x4096xf32, #tpu.memory_space<vmem>>
    %dma_start3A_600 = tpu.memref_squeeze %dma_start3A_599 : memref<1x8x4096xf32, #tpu.memory_space<vmem>> -> memref<8x4096xf32, #tpu.memory_space<vmem>>
    %dma_start3A_601 = arith.constant 104 : i32
    %dma_start3A_602 = tpu.memref_slice %arg5[%dma_start3A_601] : memref<128xi32, #tpu.memory_space<vmem>> -> memref<8xi32, #tpu.memory_space<vmem>>
    %dma_start3A_603 = arith.constant 0 : i32
    %dma_start3A_604 = arith.constant 0 : i32
    %dma_start3A_605 = tpu.memref_slice %arg2[%dma_start3A_603, %dma_start3A_604] : memref<4096x4096xf32, #tpu.memory_space<hbm>> -> memref<4096x4096xf32, #tpu.memory_space<hbm>>
    tpu.enqueue_indirect_dma source(%dma_start3A_605 : memref<4096x4096xf32, #tpu.memory_space<hbm>>) target(%dma_start3A_600 : memref<8x4096xf32, #tpu.memory_space<vmem>>) offsets(%dma_start3A_602 : memref<8xi32, #tpu.memory_space<vmem>>) semaphore(%arg7 : memref<!tpu.dma_semaphore, #tpu.memory_space<semaphore_mem>>)
    %dma_wait3A_606 = arith.constant 0 : i32
    %dma_wait3A_607 = arith.constant 0 : i32
    %dma_wait3A_608 = arith.constant 0 : i32
    %dma_wait3A_609 = tpu.memref_slice %arg6[%dma_wait3A_606, %dma_wait3A_607, %dma_wait3A_608] : memref<3x8x4096xf32, #tpu.memory_space<vmem>> -> memref<1x8x4096xf32, #tpu.memory_space<vmem>>
    %dma_wait3A_610 = tpu.memref_squeeze %dma_wait3A_609 : memref<1x8x4096xf32, #tpu.memory_space<vmem>> -> memref<8x4096xf32, #tpu.memory_space<vmem>>
    %dma_wait3A_611 = arith.constant 96 : i32
    %dma_wait3A_612 = tpu.memref_slice %arg5[%dma_wait3A_611] : memref<128xi32, #tpu.memory_space<vmem>> -> memref<8xi32, #tpu.memory_space<vmem>>
    %dma_wait3A_613 = arith.constant 0 : i32
    %dma_wait3A_614 = arith.constant 0 : i32
    %dma_wait3A_615 = tpu.memref_slice %arg2[%dma_wait3A_613, %dma_wait3A_614] : memref<4096x4096xf32, #tpu.memory_space<hbm>> -> memref<4096x4096xf32, #tpu.memory_space<hbm>>
    tpu.wait_indirect_dma semaphore(%arg7 : memref<!tpu.dma_semaphore, #tpu.memory_space<semaphore_mem>>) src(%dma_wait3A_615 : memref<4096x4096xf32, #tpu.memory_space<hbm>>) dst(%dma_wait3A_610 : memref<8x4096xf32, #tpu.memory_space<vmem>>)
    %add3A_616 = arith.constant 96 : i32
    %add3A_617 = arith.addi %mul3A_2, %add3A_616 : i32
    %dma_start3A_618 = arith.constant 0 : i32
    %dma_start3A_619 = arith.constant 0 : i32
    %dma_start3A_620 = arith.constant 0 : i32
    %dma_start3A_621 = tpu.memref_slice %arg6[%dma_start3A_618, %dma_start3A_619, %dma_start3A_620] : memref<3x8x4096xf32, #tpu.memory_space<vmem>> -> memref<1x8x4096xf32, #tpu.memory_space<vmem>>
    %dma_start3A_622 = tpu.memref_squeeze %dma_start3A_621 : memref<1x8x4096xf32, #tpu.memory_space<vmem>> -> memref<8x4096xf32, #tpu.memory_space<vmem>>
    %dma_start3A_623 = arith.constant 0 : i32
    %dma_start3A_624 = tpu.memref_slice %arg4[%add3A_617, %dma_start3A_623] : memref<4096x4096xf32, #tpu.memory_space<hbm>> -> memref<8x4096xf32, #tpu.memory_space<hbm>>
    %dma_start3A_625 = arith.constant 0 : i32
    %dma_start3A_626 = tpu.memref_slice %arg4[%add3A_617, %dma_start3A_625] : memref<4096x4096xf32, #tpu.memory_space<hbm>> -> memref<8x4096xf32, #tpu.memory_space<hbm>>
    %dma_start3A_627 = arith.constant 0 : i32
    %dma_start3A_628 = arith.constant 0 : i32
    %dma_start3A_629 = tpu.memref_slice %arg6[%dma_start3A_618, %dma_start3A_627, %dma_start3A_628] : memref<3x8x4096xf32, #tpu.memory_space<vmem>> -> memref<1x8x4096xf32, #tpu.memory_space<vmem>>
    %dma_start3A_630 = tpu.memref_squeeze %dma_start3A_629 : memref<1x8x4096xf32, #tpu.memory_space<vmem>> -> memref<8x4096xf32, #tpu.memory_space<vmem>>
    tpu.enqueue_dma source(%dma_start3A_630 : memref<8x4096xf32, #tpu.memory_space<vmem>>) target(%dma_start3A_626 : memref<8x4096xf32, #tpu.memory_space<hbm>>) target_semaphore(%arg8 : memref<!tpu.dma_semaphore, #tpu.memory_space<semaphore_mem>>)
    %add3A_631 = arith.constant 88 : i32
    %add3A_632 = arith.addi %mul3A_2, %add3A_631 : i32
    %dma_wait3A_633 = arith.constant 2 : i32
    %dma_wait3A_634 = arith.constant 0 : i32
    %dma_wait3A_635 = arith.constant 0 : i32
    %dma_wait3A_636 = tpu.memref_slice %arg6[%dma_wait3A_633, %dma_wait3A_634, %dma_wait3A_635] : memref<3x8x4096xf32, #tpu.memory_space<vmem>> -> memref<1x8x4096xf32, #tpu.memory_space<vmem>>
    %dma_wait3A_637 = tpu.memref_squeeze %dma_wait3A_636 : memref<1x8x4096xf32, #tpu.memory_space<vmem>> -> memref<8x4096xf32, #tpu.memory_space<vmem>>
    %dma_wait3A_638 = arith.constant 0 : i32
    %dma_wait3A_639 = tpu.memref_slice %arg4[%add3A_632, %dma_wait3A_638] : memref<4096x4096xf32, #tpu.memory_space<hbm>> -> memref<8x4096xf32, #tpu.memory_space<hbm>>
    %dma_wait3A_640 = arith.constant 0 : i32
    %dma_wait3A_641 = tpu.memref_slice %arg4[%add3A_632, %dma_wait3A_640] : memref<4096x4096xf32, #tpu.memory_space<hbm>> -> memref<8x4096xf32, #tpu.memory_space<hbm>>
    %dma_wait3A_642 = arith.constant 0 : i32
    %dma_wait3A_643 = arith.constant 0 : i32
    %dma_wait3A_644 = tpu.memref_slice %arg6[%dma_wait3A_633, %dma_wait3A_642, %dma_wait3A_643] : memref<3x8x4096xf32, #tpu.memory_space<vmem>> -> memref<1x8x4096xf32, #tpu.memory_space<vmem>>
    %dma_wait3A_645 = tpu.memref_squeeze %dma_wait3A_644 : memref<1x8x4096xf32, #tpu.memory_space<vmem>> -> memref<8x4096xf32, #tpu.memory_space<vmem>>
    tpu.wait_dma2 semaphore(%arg8 : memref<!tpu.dma_semaphore, #tpu.memory_space<semaphore_mem>>) src(%dma_wait3A_645 : memref<8x4096xf32, #tpu.memory_space<vmem>>) dst(%dma_wait3A_641 : memref<8x4096xf32, #tpu.memory_space<hbm>>)
    %dma_start3A_646 = arith.constant 2 : i32
    %dma_start3A_647 = arith.constant 0 : i32
    %dma_start3A_648 = arith.constant 0 : i32
    %dma_start3A_649 = tpu.memref_slice %arg6[%dma_start3A_646, %dma_start3A_647, %dma_start3A_648] : memref<3x8x4096xf32, #tpu.memory_space<vmem>> -> memref<1x8x4096xf32, #tpu.memory_space<vmem>>
    %dma_start3A_650 = tpu.memref_squeeze %dma_start3A_649 : memref<1x8x4096xf32, #tpu.memory_space<vmem>> -> memref<8x4096xf32, #tpu.memory_space<vmem>>
    %dma_start3A_651 = arith.constant 112 : i32
    %dma_start3A_652 = tpu.memref_slice %arg5[%dma_start3A_651] : memref<128xi32, #tpu.memory_space<vmem>> -> memref<8xi32, #tpu.memory_space<vmem>>
    %dma_start3A_653 = arith.constant 0 : i32
    %dma_start3A_654 = arith.constant 0 : i32
    %dma_start3A_655 = tpu.memref_slice %arg2[%dma_start3A_653, %dma_start3A_654] : memref<4096x4096xf32, #tpu.memory_space<hbm>> -> memref<4096x4096xf32, #tpu.memory_space<hbm>>
    tpu.enqueue_indirect_dma source(%dma_start3A_655 : memref<4096x4096xf32, #tpu.memory_space<hbm>>) target(%dma_start3A_650 : memref<8x4096xf32, #tpu.memory_space<vmem>>) offsets(%dma_start3A_652 : memref<8xi32, #tpu.memory_space<vmem>>) semaphore(%arg7 : memref<!tpu.dma_semaphore, #tpu.memory_space<semaphore_mem>>)
    %dma_wait3A_656 = arith.constant 1 : i32
    %dma_wait3A_657 = arith.constant 0 : i32
    %dma_wait3A_658 = arith.constant 0 : i32
    %dma_wait3A_659 = tpu.memref_slice %arg6[%dma_wait3A_656, %dma_wait3A_657, %dma_wait3A_658] : memref<3x8x4096xf32, #tpu.memory_space<vmem>> -> memref<1x8x4096xf32, #tpu.memory_space<vmem>>
    %dma_wait3A_660 = tpu.memref_squeeze %dma_wait3A_659 : memref<1x8x4096xf32, #tpu.memory_space<vmem>> -> memref<8x4096xf32, #tpu.memory_space<vmem>>
    %dma_wait3A_661 = arith.constant 104 : i32
    %dma_wait3A_662 = tpu.memref_slice %arg5[%dma_wait3A_661] : memref<128xi32, #tpu.memory_space<vmem>> -> memref<8xi32, #tpu.memory_space<vmem>>
    %dma_wait3A_663 = arith.constant 0 : i32
    %dma_wait3A_664 = arith.constant 0 : i32
    %dma_wait3A_665 = tpu.memref_slice %arg2[%dma_wait3A_663, %dma_wait3A_664] : memref<4096x4096xf32, #tpu.memory_space<hbm>> -> memref<4096x4096xf32, #tpu.memory_space<hbm>>
    tpu.wait_indirect_dma semaphore(%arg7 : memref<!tpu.dma_semaphore, #tpu.memory_space<semaphore_mem>>) src(%dma_wait3A_665 : memref<4096x4096xf32, #tpu.memory_space<hbm>>) dst(%dma_wait3A_660 : memref<8x4096xf32, #tpu.memory_space<vmem>>)
    %add3A_666 = arith.constant 104 : i32
    %add3A_667 = arith.addi %mul3A_2, %add3A_666 : i32
    %dma_start3A_668 = arith.constant 1 : i32
    %dma_start3A_669 = arith.constant 0 : i32
    %dma_start3A_670 = arith.constant 0 : i32
    %dma_start3A_671 = tpu.memref_slice %arg6[%dma_start3A_668, %dma_start3A_669, %dma_start3A_670] : memref<3x8x4096xf32, #tpu.memory_space<vmem>> -> memref<1x8x4096xf32, #tpu.memory_space<vmem>>
    %dma_start3A_672 = tpu.memref_squeeze %dma_start3A_671 : memref<1x8x4096xf32, #tpu.memory_space<vmem>> -> memref<8x4096xf32, #tpu.memory_space<vmem>>
    %dma_start3A_673 = arith.constant 0 : i32
    %dma_start3A_674 = tpu.memref_slice %arg4[%add3A_667, %dma_start3A_673] : memref<4096x4096xf32, #tpu.memory_space<hbm>> -> memref<8x4096xf32, #tpu.memory_space<hbm>>
    %dma_start3A_675 = arith.constant 0 : i32
    %dma_start3A_676 = tpu.memref_slice %arg4[%add3A_667, %dma_start3A_675] : memref<4096x4096xf32, #tpu.memory_space<hbm>> -> memref<8x4096xf32, #tpu.memory_space<hbm>>
    %dma_start3A_677 = arith.constant 0 : i32
    %dma_start3A_678 = arith.constant 0 : i32
    %dma_start3A_679 = tpu.memref_slice %arg6[%dma_start3A_668, %dma_start3A_677, %dma_start3A_678] : memref<3x8x4096xf32, #tpu.memory_space<vmem>> -> memref<1x8x4096xf32, #tpu.memory_space<vmem>>
    %dma_start3A_680 = tpu.memref_squeeze %dma_start3A_679 : memref<1x8x4096xf32, #tpu.memory_space<vmem>> -> memref<8x4096xf32, #tpu.memory_space<vmem>>
    tpu.enqueue_dma source(%dma_start3A_680 : memref<8x4096xf32, #tpu.memory_space<vmem>>) target(%dma_start3A_676 : memref<8x4096xf32, #tpu.memory_space<hbm>>) target_semaphore(%arg8 : memref<!tpu.dma_semaphore, #tpu.memory_space<semaphore_mem>>)
    %add3A_681 = arith.constant 96 : i32
    %add3A_682 = arith.addi %mul3A_2, %add3A_681 : i32
    %dma_wait3A_683 = arith.constant 0 : i32
    %dma_wait3A_684 = arith.constant 0 : i32
    %dma_wait3A_685 = arith.constant 0 : i32
    %dma_wait3A_686 = tpu.memref_slice %arg6[%dma_wait3A_683, %dma_wait3A_684, %dma_wait3A_685] : memref<3x8x4096xf32, #tpu.memory_space<vmem>> -> memref<1x8x4096xf32, #tpu.memory_space<vmem>>
    %dma_wait3A_687 = tpu.memref_squeeze %dma_wait3A_686 : memref<1x8x4096xf32, #tpu.memory_space<vmem>> -> memref<8x4096xf32, #tpu.memory_space<vmem>>
    %dma_wait3A_688 = arith.constant 0 : i32
    %dma_wait3A_689 = tpu.memref_slice %arg4[%add3A_682, %dma_wait3A_688] : memref<4096x4096xf32, #tpu.memory_space<hbm>> -> memref<8x4096xf32, #tpu.memory_space<hbm>>
    %dma_wait3A_690 = arith.constant 0 : i32
    %dma_wait3A_691 = tpu.memref_slice %arg4[%add3A_682, %dma_wait3A_690] : memref<4096x4096xf32, #tpu.memory_space<hbm>> -> memref<8x4096xf32, #tpu.memory_space<hbm>>
    %dma_wait3A_692 = arith.constant 0 : i32
    %dma_wait3A_693 = arith.constant 0 : i32
    %dma_wait3A_694 = tpu.memref_slice %arg6[%dma_wait3A_683, %dma_wait3A_692, %dma_wait3A_693] : memref<3x8x4096xf32, #tpu.memory_space<vmem>> -> memref<1x8x4096xf32, #tpu.memory_space<vmem>>
    %dma_wait3A_695 = tpu.memref_squeeze %dma_wait3A_694 : memref<1x8x4096xf32, #tpu.memory_space<vmem>> -> memref<8x4096xf32, #tpu.memory_space<vmem>>
    tpu.wait_dma2 semaphore(%arg8 : memref<!tpu.dma_semaphore, #tpu.memory_space<semaphore_mem>>) src(%dma_wait3A_695 : memref<8x4096xf32, #tpu.memory_space<vmem>>) dst(%dma_wait3A_691 : memref<8x4096xf32, #tpu.memory_space<hbm>>)
    %dma_start3A_696 = arith.constant 0 : i32
    %dma_start3A_697 = arith.constant 0 : i32
    %dma_start3A_698 = arith.constant 0 : i32
    %dma_start3A_699 = tpu.memref_slice %arg6[%dma_start3A_696, %dma_start3A_697, %dma_start3A_698] : memref<3x8x4096xf32, #tpu.memory_space<vmem>> -> memref<1x8x4096xf32, #tpu.memory_space<vmem>>
    %dma_start3A_700 = tpu.memref_squeeze %dma_start3A_699 : memref<1x8x4096xf32, #tpu.memory_space<vmem>> -> memref<8x4096xf32, #tpu.memory_space<vmem>>
    %dma_start3A_701 = arith.constant 120 : i32
    %dma_start3A_702 = tpu.memref_slice %arg5[%dma_start3A_701] : memref<128xi32, #tpu.memory_space<vmem>> -> memref<8xi32, #tpu.memory_space<vmem>>
    %dma_start3A_703 = arith.constant 0 : i32
    %dma_start3A_704 = arith.constant 0 : i32
    %dma_start3A_705 = tpu.memref_slice %arg2[%dma_start3A_703, %dma_start3A_704] : memref<4096x4096xf32, #tpu.memory_space<hbm>> -> memref<4096x4096xf32, #tpu.memory_space<hbm>>
    tpu.enqueue_indirect_dma source(%dma_start3A_705 : memref<4096x4096xf32, #tpu.memory_space<hbm>>) target(%dma_start3A_700 : memref<8x4096xf32, #tpu.memory_space<vmem>>) offsets(%dma_start3A_702 : memref<8xi32, #tpu.memory_space<vmem>>) semaphore(%arg7 : memref<!tpu.dma_semaphore, #tpu.memory_space<semaphore_mem>>)
    %dma_wait3A_706 = arith.constant 2 : i32
    %dma_wait3A_707 = arith.constant 0 : i32
    %dma_wait3A_708 = arith.constant 0 : i32
    %dma_wait3A_709 = tpu.memref_slice %arg6[%dma_wait3A_706, %dma_wait3A_707, %dma_wait3A_708] : memref<3x8x4096xf32, #tpu.memory_space<vmem>> -> memref<1x8x4096xf32, #tpu.memory_space<vmem>>
    %dma_wait3A_710 = tpu.memref_squeeze %dma_wait3A_709 : memref<1x8x4096xf32, #tpu.memory_space<vmem>> -> memref<8x4096xf32, #tpu.memory_space<vmem>>
    %dma_wait3A_711 = arith.constant 112 : i32
    %dma_wait3A_712 = tpu.memref_slice %arg5[%dma_wait3A_711] : memref<128xi32, #tpu.memory_space<vmem>> -> memref<8xi32, #tpu.memory_space<vmem>>
    %dma_wait3A_713 = arith.constant 0 : i32
    %dma_wait3A_714 = arith.constant 0 : i32
    %dma_wait3A_715 = tpu.memref_slice %arg2[%dma_wait3A_713, %dma_wait3A_714] : memref<4096x4096xf32, #tpu.memory_space<hbm>> -> memref<4096x4096xf32, #tpu.memory_space<hbm>>
    tpu.wait_indirect_dma semaphore(%arg7 : memref<!tpu.dma_semaphore, #tpu.memory_space<semaphore_mem>>) src(%dma_wait3A_715 : memref<4096x4096xf32, #tpu.memory_space<hbm>>) dst(%dma_wait3A_710 : memref<8x4096xf32, #tpu.memory_space<vmem>>)
    %add3A_716 = arith.constant 112 : i32
    %add3A_717 = arith.addi %mul3A_2, %add3A_716 : i32
    %dma_start3A_718 = arith.constant 2 : i32
    %dma_start3A_719 = arith.constant 0 : i32
    %dma_start3A_720 = arith.constant 0 : i32
    %dma_start3A_721 = tpu.memref_slice %arg6[%dma_start3A_718, %dma_start3A_719, %dma_start3A_720] : memref<3x8x4096xf32, #tpu.memory_space<vmem>> -> memref<1x8x4096xf32, #tpu.memory_space<vmem>>
    %dma_start3A_722 = tpu.memref_squeeze %dma_start3A_721 : memref<1x8x4096xf32, #tpu.memory_space<vmem>> -> memref<8x4096xf32, #tpu.memory_space<vmem>>
    %dma_start3A_723 = arith.constant 0 : i32
    %dma_start3A_724 = tpu.memref_slice %arg4[%add3A_717, %dma_start3A_723] : memref<4096x4096xf32, #tpu.memory_space<hbm>> -> memref<8x4096xf32, #tpu.memory_space<hbm>>
    %dma_start3A_725 = arith.constant 0 : i32
    %dma_start3A_726 = tpu.memref_slice %arg4[%add3A_717, %dma_start3A_725] : memref<4096x4096xf32, #tpu.memory_space<hbm>> -> memref<8x4096xf32, #tpu.memory_space<hbm>>
    %dma_start3A_727 = arith.constant 0 : i32
    %dma_start3A_728 = arith.constant 0 : i32
    %dma_start3A_729 = tpu.memref_slice %arg6[%dma_start3A_718, %dma_start3A_727, %dma_start3A_728] : memref<3x8x4096xf32, #tpu.memory_space<vmem>> -> memref<1x8x4096xf32, #tpu.memory_space<vmem>>
    %dma_start3A_730 = tpu.memref_squeeze %dma_start3A_729 : memref<1x8x4096xf32, #tpu.memory_space<vmem>> -> memref<8x4096xf32, #tpu.memory_space<vmem>>
    tpu.enqueue_dma source(%dma_start3A_730 : memref<8x4096xf32, #tpu.memory_space<vmem>>) target(%dma_start3A_726 : memref<8x4096xf32, #tpu.memory_space<hbm>>) target_semaphore(%arg8 : memref<!tpu.dma_semaphore, #tpu.memory_space<semaphore_mem>>)
    %dma_wait3A_731 = arith.constant 0 : i32
    %dma_wait3A_732 = arith.constant 0 : i32
    %dma_wait3A_733 = arith.constant 0 : i32
    %dma_wait3A_734 = tpu.memref_slice %arg6[%dma_wait3A_731, %dma_wait3A_732, %dma_wait3A_733] : memref<3x8x4096xf32, #tpu.memory_space<vmem>> -> memref<1x8x4096xf32, #tpu.memory_space<vmem>>
    %dma_wait3A_735 = tpu.memref_squeeze %dma_wait3A_734 : memref<1x8x4096xf32, #tpu.memory_space<vmem>> -> memref<8x4096xf32, #tpu.memory_space<vmem>>
    %dma_wait3A_736 = arith.constant 120 : i32
    %dma_wait3A_737 = tpu.memref_slice %arg5[%dma_wait3A_736] : memref<128xi32, #tpu.memory_space<vmem>> -> memref<8xi32, #tpu.memory_space<vmem>>
    %dma_wait3A_738 = arith.constant 0 : i32
    %dma_wait3A_739 = arith.constant 0 : i32
    %dma_wait3A_740 = tpu.memref_slice %arg2[%dma_wait3A_738, %dma_wait3A_739] : memref<4096x4096xf32, #tpu.memory_space<hbm>> -> memref<4096x4096xf32, #tpu.memory_space<hbm>>
    tpu.wait_indirect_dma semaphore(%arg7 : memref<!tpu.dma_semaphore, #tpu.memory_space<semaphore_mem>>) src(%dma_wait3A_740 : memref<4096x4096xf32, #tpu.memory_space<hbm>>) dst(%dma_wait3A_735 : memref<8x4096xf32, #tpu.memory_space<vmem>>)
    %add3A_741 = arith.constant 120 : i32
    %add3A_742 = arith.addi %mul3A_2, %add3A_741 : i32
    %dma_start3A_743 = arith.constant 0 : i32
    %dma_start3A_744 = arith.constant 0 : i32
    %dma_start3A_745 = arith.constant 0 : i32
    %dma_start3A_746 = tpu.memref_slice %arg6[%dma_start3A_743, %dma_start3A_744, %dma_start3A_745] : memref<3x8x4096xf32, #tpu.memory_space<vmem>> -> memref<1x8x4096xf32, #tpu.memory_space<vmem>>
    %dma_start3A_747 = tpu.memref_squeeze %dma_start3A_746 : memref<1x8x4096xf32, #tpu.memory_space<vmem>> -> memref<8x4096xf32, #tpu.memory_space<vmem>>
    %dma_start3A_748 = arith.constant 0 : i32
    %dma_start3A_749 = tpu.memref_slice %arg4[%add3A_742, %dma_start3A_748] : memref<4096x4096xf32, #tpu.memory_space<hbm>> -> memref<8x4096xf32, #tpu.memory_space<hbm>>
    %dma_start3A_750 = arith.constant 0 : i32
    %dma_start3A_751 = tpu.memref_slice %arg4[%add3A_742, %dma_start3A_750] : memref<4096x4096xf32, #tpu.memory_space<hbm>> -> memref<8x4096xf32, #tpu.memory_space<hbm>>
    %dma_start3A_752 = arith.constant 0 : i32
    %dma_start3A_753 = arith.constant 0 : i32
    %dma_start3A_754 = tpu.memref_slice %arg6[%dma_start3A_743, %dma_start3A_752, %dma_start3A_753] : memref<3x8x4096xf32, #tpu.memory_space<vmem>> -> memref<1x8x4096xf32, #tpu.memory_space<vmem>>
    %dma_start3A_755 = tpu.memref_squeeze %dma_start3A_754 : memref<1x8x4096xf32, #tpu.memory_space<vmem>> -> memref<8x4096xf32, #tpu.memory_space<vmem>>
    tpu.enqueue_dma source(%dma_start3A_755 : memref<8x4096xf32, #tpu.memory_space<vmem>>) target(%dma_start3A_751 : memref<8x4096xf32, #tpu.memory_space<hbm>>) target_semaphore(%arg8 : memref<!tpu.dma_semaphore, #tpu.memory_space<semaphore_mem>>)
    %add3A_756 = arith.constant 120 : i32
    %add3A_757 = arith.addi %mul3A_2, %add3A_756 : i32
    %dma_wait3A_758 = arith.constant 0 : i32
    %dma_wait3A_759 = arith.constant 0 : i32
    %dma_wait3A_760 = arith.constant 0 : i32
    %dma_wait3A_761 = tpu.memref_slice %arg6[%dma_wait3A_758, %dma_wait3A_759, %dma_wait3A_760] : memref<3x8x4096xf32, #tpu.memory_space<vmem>> -> memref<1x8x4096xf32, #tpu.memory_space<vmem>>
    %dma_wait3A_762 = tpu.memref_squeeze %dma_wait3A_761 : memref<1x8x4096xf32, #tpu.memory_space<vmem>> -> memref<8x4096xf32, #tpu.memory_space<vmem>>
    %dma_wait3A_763 = arith.constant 0 : i32
    %dma_wait3A_764 = tpu.memref_slice %arg4[%add3A_757, %dma_wait3A_763] : memref<4096x4096xf32, #tpu.memory_space<hbm>> -> memref<8x4096xf32, #tpu.memory_space<hbm>>
    %dma_wait3A_765 = arith.constant 0 : i32
    %dma_wait3A_766 = tpu.memref_slice %arg4[%add3A_757, %dma_wait3A_765] : memref<4096x4096xf32, #tpu.memory_space<hbm>> -> memref<8x4096xf32, #tpu.memory_space<hbm>>
    %dma_wait3A_767 = arith.constant 0 : i32
    %dma_wait3A_768 = arith.constant 0 : i32
    %dma_wait3A_769 = tpu.memref_slice %arg6[%dma_wait3A_758, %dma_wait3A_767, %dma_wait3A_768] : memref<3x8x4096xf32, #tpu.memory_space<vmem>> -> memref<1x8x4096xf32, #tpu.memory_space<vmem>>
    %dma_wait3A_770 = tpu.memref_squeeze %dma_wait3A_769 : memref<1x8x4096xf32, #tpu.memory_space<vmem>> -> memref<8x4096xf32, #tpu.memory_space<vmem>>
    tpu.wait_dma2 semaphore(%arg8 : memref<!tpu.dma_semaphore, #tpu.memory_space<semaphore_mem>>) src(%dma_wait3A_770 : memref<8x4096xf32, #tpu.memory_space<vmem>>) dst(%dma_wait3A_766 : memref<8x4096xf32, #tpu.memory_space<hbm>>)
    %add3A_771 = arith.constant 120 : i32
    %add3A_772 = arith.addi %mul3A_2, %add3A_771 : i32
    %dma_wait3A_773 = arith.constant 0 : i32
    %dma_wait3A_774 = arith.constant 0 : i32
    %dma_wait3A_775 = arith.constant 0 : i32
    %dma_wait3A_776 = tpu.memref_slice %arg6[%dma_wait3A_773, %dma_wait3A_774, %dma_wait3A_775] : memref<3x8x4096xf32, #tpu.memory_space<vmem>> -> memref<1x8x4096xf32, #tpu.memory_space<vmem>>
    %dma_wait3A_777 = tpu.memref_squeeze %dma_wait3A_776 : memref<1x8x4096xf32, #tpu.memory_space<vmem>> -> memref<8x4096xf32, #tpu.memory_space<vmem>>
    %dma_wait3A_778 = arith.constant 0 : i32
    %dma_wait3A_779 = tpu.memref_slice %arg4[%add3A_772, %dma_wait3A_778] : memref<4096x4096xf32, #tpu.memory_space<hbm>> -> memref<8x4096xf32, #tpu.memory_space<hbm>>
    %dma_wait3A_780 = arith.constant 0 : i32
    %dma_wait3A_781 = tpu.memref_slice %arg4[%add3A_772, %dma_wait3A_780] : memref<4096x4096xf32, #tpu.memory_space<hbm>> -> memref<8x4096xf32, #tpu.memory_space<hbm>>
    %dma_wait3A_782 = arith.constant 0 : i32
    %dma_wait3A_783 = arith.constant 0 : i32
    %dma_wait3A_784 = tpu.memref_slice %arg6[%dma_wait3A_773, %dma_wait3A_782, %dma_wait3A_783] : memref<3x8x4096xf32, #tpu.memory_space<vmem>> -> memref<1x8x4096xf32, #tpu.memory_space<vmem>>
    %dma_wait3A_785 = tpu.memref_squeeze %dma_wait3A_784 : memref<1x8x4096xf32, #tpu.memory_space<vmem>> -> memref<8x4096xf32, #tpu.memory_space<vmem>>
    tpu.wait_dma2 semaphore(%arg8 : memref<!tpu.dma_semaphore, #tpu.memory_space<semaphore_mem>>) src(%dma_wait3A_785 : memref<8x4096xf32, #tpu.memory_space<vmem>>) dst(%dma_wait3A_781 : memref<8x4096xf32, #tpu.memory_space<hbm>>)
    %add3A_786 = arith.constant 120 : i32
    %add3A_787 = arith.addi %mul3A_2, %add3A_786 : i32
    %dma_wait3A_788 = arith.constant 0 : i32
    %dma_wait3A_789 = arith.constant 0 : i32
    %dma_wait3A_790 = arith.constant 0 : i32
    %dma_wait3A_791 = tpu.memref_slice %arg6[%dma_wait3A_788, %dma_wait3A_789, %dma_wait3A_790] : memref<3x8x4096xf32, #tpu.memory_space<vmem>> -> memref<1x8x4096xf32, #tpu.memory_space<vmem>>
    %dma_wait3A_792 = tpu.memref_squeeze %dma_wait3A_791 : memref<1x8x4096xf32, #tpu.memory_space<vmem>> -> memref<8x4096xf32, #tpu.memory_space<vmem>>
    %dma_wait3A_793 = arith.constant 0 : i32
    %dma_wait3A_794 = tpu.memref_slice %arg4[%add3A_787, %dma_wait3A_793] : memref<4096x4096xf32, #tpu.memory_space<hbm>> -> memref<8x4096xf32, #tpu.memory_space<hbm>>
    %dma_wait3A_795 = arith.constant 0 : i32
    %dma_wait3A_796 = tpu.memref_slice %arg4[%add3A_787, %dma_wait3A_795] : memref<4096x4096xf32, #tpu.memory_space<hbm>> -> memref<8x4096xf32, #tpu.memory_space<hbm>>
    %dma_wait3A_797 = arith.constant 0 : i32
    %dma_wait3A_798 = arith.constant 0 : i32
    %dma_wait3A_799 = tpu.memref_slice %arg6[%dma_wait3A_788, %dma_wait3A_797, %dma_wait3A_798] : memref<3x8x4096xf32, #tpu.memory_space<vmem>> -> memref<1x8x4096xf32, #tpu.memory_space<vmem>>
    %dma_wait3A_800 = tpu.memref_squeeze %dma_wait3A_799 : memref<1x8x4096xf32, #tpu.memory_space<vmem>> -> memref<8x4096xf32, #tpu.memory_space<vmem>>
    tpu.wait_dma2 semaphore(%arg8 : memref<!tpu.dma_semaphore, #tpu.memory_space<semaphore_mem>>) src(%dma_wait3A_800 : memref<8x4096xf32, #tpu.memory_space<vmem>>) dst(%dma_wait3A_796 : memref<8x4096xf32, #tpu.memory_space<hbm>>)
    return
  }
}

</mosaic_0001>

<sc_bundles>
// kernel: kernel.3.cloned.1.call-start
scs
__scs_entry_jumppad:
0x0: {  	(pc) =	sbr.rel $0x88, $3  }
0x1: {  	(tag) =	ssettag $0x0;
	lr =	simm.s32 $0x1  }
0x2: {  	[smem:$0x3F9F] =	sst lr;
	_ =	strace $0xD0000000  }
0x3: {  	_ = 	snop  }
0x4: {  	_ = 	snop  }
0x5: {  	_ = 	snop  }
0x6: {  	_ = 	snop  }
0x7: {  	_ = 	snop  }
__scs_overlays_trampoline_lowered:
0x8: {  	[smem:$0x3FAE] =	sst s0  }
0x9: {  	[smem:$0x3FAF] =	sst s1  }
0xa: {  	[smem:$0x3FB0] =	sst s2  }
0xb: {  	[smem:$0x3FB1] =	sst s3  }
0xc: {  	[smem:$0x3FB2] =	sst s4  }
0xd: {  	[smem:$0x3FB3] =	sst s5  }
0xe: {  	[smem:$0x3FB4] =	sst s6  }
0xf: {  	[smem:$0x3FB5] =	sst s7  }
0x10: {  	[smem:$0x3FB6] =	sst s8  }
0x11: {  	[smem:$0x3FB7] =	sst s9;
	s0 =	simm.s32 @!p0 $0x0  }
0x12: {  	s1 =	sld [smem:$0x3F9D];
	s0 =	simm.s32 @p0 $0x1  }
0x13: {  	[smem:$0x3FB8] =	sst s0;
	s0 =	simm.s32 @!p1 $0x0  }
0x14: {  	s2 =	sld [smem:$0x3F9C];
	s0 =	simm.s32 @p1 $0x1  }
0x15: {  	[smem:$0x3FB9] =	sst s0;
	s0 =	simm.s32 @!p2 $0x0  }
0x16: {  	s3 =	sld [smem:$0x3FDB];
	s0 =	simm.s32 @p2 $0x1  }
0x17: {  	s4 =	simm.s32 $0x1BF5;
	[smem:$0x3FBB] =	sst s0  }
0x18: {  	s0 =	sld [smem:$0x3F9E];
	_ =	swait.ge [sflag:s4], $0x0  }
0x19: {  	s7 =	sld [smem:$0x3F9F]  }
0x1a: {  	s8 =	sadd.s32 $0xFFFFE003, lr  }
0x1b: {  	s9 =	sadd.s32 $0xFFFFFEF7, lr;
	s5 =	simm.s32 $0xFFFFFFFF;
	p2 =	slt.u32 s8, $0xFFFFF086  }
0x1c: {  	p1 =	slt.u32 s9, $0xF7A;
	s5 =	simm.s32 @!p2 $0x0  }
0x1d: {  	s5 =	simm.s32 @p1 $0x1;
	p0 =	seq.s32 s7, s2  }
0x1e: {  	s7 =	smul.u32 @!p0 $0xF7A, s2;
	p2 =	seq.s32 @!p0 s5, $0x0  }
0x1f: {  	s9 =	smul.u32 $0xF7A, s1;
	s8 =	simm.s32 @!p0 $0x1BF5;
	p2 =	por !p2, p0  }
0x20: {  	[sflag:s8] =	ssyncset.s32 @!p0 $0xFFFFF086;
	s6 =	sadd.s32 @!p0 s3, s7;
	s7 =	simm.s32 @!p0 $0x108  }
0x21: {  	s3 =	sadd.s32 s3, s9;
	s6 =	sadd.s32 @!p0 $0x88, s6;
	s7 =	simm.s32 @p2 $0x1082  }
0x22: {  	[simem:s7], [sflag:s8] =	dma.local @!p0 [hbm:s6], $0xF7A  }
0x23: {  	s9 =	sor.u32 $0xD0000000, s2;
	s6 =	simm.s32 $0x108;
	_ =	swait.ge @!p0 [sflag:s8], $0x0  }
0x24: {  	s3 =	sadd.s32 $0x88, s3;
	s6 =	simm.s32 @!p1 $0x1082;
	[sflag:s4] =	ssyncset.s32 $0xFFFFF086  }
0x25: {  	[simem:s6], [sflag:s4] =	dma.local [hbm:s3], $0xF7A  }
0x26: {  	[smem:$0x3F9F] =	sst s1;
	(tag) =	ssettag s2;
	_ =	strace s9  }
0x27: {  	s1 =	sld [smem:$0x3FAF]  }
0x28: {  	s2 =	sld [smem:$0x3FB0]  }
0x29: {  	s4 =	sld [smem:$0x3FB2]  }
0x2a: {  	p0 =	seq.s32 s5, $0x0;
	s5 =	sld [smem:$0x3FB3]  }
0x2b: {  	s6 =	sld [smem:$0x3FB4]  }
0x2c: {  	s7 =	sld [smem:$0x3FB5]  }
0x2d: {  	s3 =	simm.s32 $0x108;
	s8 =	sld [smem:$0x3FB6]  }
0x2e: {  	s3 =	simm.s32 @!p0 $0x1082;
	s9 =	sld [smem:$0x3FB7]  }
0x2f: {  	lr =	sadd.s32 s0, s3;
	s0 =	sld [smem:$0x3FAE]  }
0x30: {  	s3 =	sld [smem:$0x3FB1]  }
0x31: {  	[smem:$0x3FBA] =	sst s10  }
0x32: {  	s10 =	sld [smem:$0x3FB8];
	_ =	sdelay $0x3  }
0x33: {  	p0 =	seq.s32 s10, $0x1;
	s10 =	sld [smem:$0x3FBA];
	_ =	sdelay $0x3  }
0x34: {  	[smem:$0x3FBA] =	sst s10  }
0x35: {  	s10 =	sld [smem:$0x3FB9];
	_ =	sdelay $0x3  }
0x36: {  	p1 =	seq.s32 s10, $0x1;
	s10 =	sld [smem:$0x3FBA];
	_ =	sdelay $0x3  }
0x37: {  	[smem:$0x3FBA] =	sst s10  }
0x38: {  	s10 =	sld [smem:$0x3FBB]  }
0x39: {  	_ = 	snop;
	(pc) =	sbr.ind lr, $3  }
0x3a: {  	_ = 	snop  }
0x3b: {  	_ = 	snop  }
0x3c: {  	p2 =	seq.s32 s10, $0x1;
	s10 =	sld [smem:$0x3FBA]  }
0x3d: {  	_ =	shalt  }
0x3e: {  	_ =	shalt  }
0x3f: {  	_ =	shalt  }
0x40: {  	_ =	shalt  }
0x41: {  	_ =	shalt  }
0x42: {  	_ =	shalt  }
0x43: {  	_ =	shalt  }
0x44: {  	_ =	shalt  }
0x45: {  	_ =	shalt  }
0x46: {  	_ =	shalt  }
0x47: {  	_ =	shalt  }
0x48: {  	_ =	shalt  }
0x49: {  	_ =	shalt  }
0x4a: {  	_ =	shalt  }
0x4b: {  	_ =	shalt  }
0x4c: {  	_ =	shalt  }
0x4d: {  	_ =	shalt  }
0x4e: {  	_ =	shalt  }
0x4f: {  	_ =	shalt  }
0x50: {  	_ =	shalt  }
0x51: {  	_ =	shalt  }
0x52: {  	_ =	shalt  }
0x53: {  	_ =	shalt  }
0x54: {  	_ =	shalt  }
0x55: {  	_ =	shalt  }
0x56: {  	_ =	shalt  }
0x57: {  	_ =	shalt  }
0x58: {  	_ =	shalt  }
0x59: {  	_ =	shalt  }
0x5a: {  	_ =	shalt  }
0x5b: {  	_ =	shalt  }
0x5c: {  	_ =	shalt  }
0x5d: {  	_ =	shalt  }
0x5e: {  	_ =	shalt  }
0x5f: {  	_ =	shalt  }
0x60: {  	_ =	shalt  }
0x61: {  	_ =	shalt  }
0x62: {  	_ =	shalt  }
0x63: {  	_ =	shalt  }
0x64: {  	_ =	shalt  }
0x65: {  	_ =	shalt  }
0x66: {  	_ =	shalt  }
0x67: {  	_ =	shalt  }
0x68: {  	_ =	shalt  }
0x69: {  	_ =	shalt  }
0x6a: {  	_ =	shalt  }
0x6b: {  	_ =	shalt  }
0x6c: {  	_ =	shalt  }
0x6d: {  	_ =	shalt  }
0x6e: {  	_ =	shalt  }
0x6f: {  	_ =	shalt  }
0x70: {  	_ =	shalt  }
0x71: {  	_ =	shalt  }
0x72: {  	_ =	shalt  }
0x73: {  	_ =	shalt  }
0x74: {  	_ =	shalt  }
0x75: {  	_ =	shalt  }
0x76: {  	_ =	shalt  }
0x77: {  	_ =	shalt  }
0x78: {  	_ =	shalt  }
0x79: {  	_ =	shalt  }
0x7a: {  	_ =	shalt  }
0x7b: {  	_ =	shalt  }
0x7c: {  	_ =	shalt  }
0x7d: {  	_ =	shalt  }
0x7e: {  	_ =	shalt  }
0x7f: {  	_ =	shalt  }
0x80: {  	_ =	shalt  }
0x81: {  	_ =	shalt  }
0x82: {  	_ =	shalt  }
0x83: {  	_ =	shalt  }
0x84: {  	_ =	shalt  }
0x85: {  	_ =	shalt  }
0x86: {  	_ =	shalt  }
0x87: {  	_ =	shalt  }
.Lfunc_end0:
.L_simem_size_0:
called_computation_lowered:
.L_overlay_start_0:
0x88: {  	s2 =	sld [smem:$0x3FD9]  }
0x89: {  	s3 =	sld [smem:$0x3FFE];
	_ =	sdelay $0x1  }
0x8a: {  	s1 =	srdreg.scid  }
0x8b: {  	s0 =	sand.u32 $0x1, s1  }
0x8c: {  	s18 =	sshll.u32 s0, $0xA;
	s2 =	sadd.s32 s3, s2  }
0x8d: {  	s2 =	sadd.s32 s2, s18  }
0x8e: {  	[smem:$0x3FC6] =	sst s2  }
0x8f: {  	_ = 	snop  }
0x90: {  	s2 =	sld [smem:$0x3FC9]  }
0x91: {  	s19 =	sld [smem:$0x3FC8]  }
0x92: {  	s4 =	sld [smem:$0x3FD0];
	(tm) =	ssettm $0x1  }
0x93: {  	s5 =	sld [smem:$0x3FFB];
	_ =	sdelay $0x3  }
0x94: {  	_ =	strace s5  }
0x95: {  	s5 =	sld [smem:$0x3FFC];
	_ =	sdelay $0x3  }
0x96: {  	_ =	strace s5  }
0x97: {  	s5 =	sld [smem:$0x3FFD];
	_ =	sdelay $0x3  }
0x98: {  	_ =	strace s5  }
0x99: {  	_ =	strace $0x8FFFFFFF  }
0x9a: {  	s20 =	sld [smem:$0x3FDB];
	_ =	sdelay $0x1  }
0x9b: {  	s6 =	simm.s32 $_scs_section_size  }
0x9c: {  	s7 =	simm.s32 $_size__tile_overlayer_lowered;
	s8 =	simm.s32 $_tile_overlayer_lowered  }
0x9d: {  	s23 =	simm.s32 $0x1BFF;
	s22 =	sshll.u32 s8, $0x1;
	s5 =	sadd.s32 s6, s20  }
0x9e: {  	s9 =	simm.s32 $0x0;
	s21 =	sshll.u32 s7, $0x1;
	s7 =	sadd.s32 s22, s5  }
0x9f: {  	[timem:s9], [sflag:s23] =	dma.local [hbm:s7], s21  }
0xa0: {  	_ =	swait.ge [sflag:s23], s21  }
0xa1: {  	s6 =	ssub.s32 $0x0, s21;
	[sflag:s23] =	ssyncset.done $0x0  }
0xa2: {  	[sflag:s23] =	ssyncadd.s32 s6;
	_ =	sdelay $0x1  }
0xa3: {  	s24 =	simm.s32 $0x1B8B  }
0xa4: {  	_ =	swait.ge [sflag:s24], $0x1  }
0xa5: {  	[sflag:s24] =	ssyncset.done $0x0  }
0xa6: {  	s25 =	simm.s32 $0x1B8E;
	[sflag:s24] =	ssyncadd.s32 $0xFFFFFFFF  }
0xa7: {  	s26 =	simm.s32 $execute0_lowered;
	[smem:$0x3FD2] =	sst s25  }
0xa8: {  	s6 =	sshll.u32 s26, $0x1;
	_ =	strace $0x80000046;
	[dreg:$0x1] =	wrdreg $0xFFFFFFFF  }
0xa9: {  	s28 =	simm.s32 $_size_execute0_lowered;
	s5 =	sadd.s32 s5, s6;
	[dreg:$0x0] =	wrdreg $0x0  }
0xaa: {  	s6 =	sshll.u32 s28, $0x1;
	[dreg:$0x2] =	wrdreg s5  }
0xab: {  	[dreg:$0x3] =	wrdreg s6  }
0xac: {  	[dreg:$0x4] =	wrdreg $0xC0  }
0xad: {  	_ =	task [dreg:s9], $0x5FFFF  }
0xae: {  	[dreg:$0x1] =	wrdreg $0xFFFFFFFF  }
0xaf: {  	[dreg:$0x0] =	wrdreg $0x60  }
0xb0: {  	[dreg:$0x2] =	wrdreg s2  }
0xb1: {  	[dreg:$0x3] =	wrdreg s19  }
0xb2: {  	[dreg:$0x4] =	wrdreg s4  }
0xb3: {  	[dreg:$0x5] =	wrdreg $0x9  }
0xb4: {  	_ =	task.clear_ibuf [dreg:s9], $0x6FFFF;
	_ =	strace $0x90000046  }
0xb5: {  	s29 =	simm.s32 $0x9;
	_ =	strace $0x80000048  }
0xb6: {  	_ =	swait.ge [sflag:s29], $0x1  }
0xb7: {  	[sflag:s29] =	ssyncadd.s32 $0xFFFFFFFF  }
0xb8: {  	_ =	strace $0x90000048  }
0xb9: {  	_ =	sfence  }
0xba: {  	s30 =	sld [smem:$0x0];
	_ =	sdelay $0x2  }
0xbb: {  	s31 =	sshll.u32 s1, $0xD;
	s1 =	sshrl.u32 s1, $0x2  }
0xbc: {  	s3 =	sand.u32 $0x4000, s31;
	s1 =	sadd.s32 s1, s30  }
0xbd: {  	s0 =	sor.u32 s3, s0;
	s1 =	sshll.u32 s1, $0x11  }
0xbe: {  	s0 =	sor.u32 s1, s0  }
0xbf: {  	s0 =	sadd.s32 $0x8F2B, s0  }
0xc0: {  	[sflag:s0] =	ssyncadd.remote.s32 $0x1  }
0xc1: {  	_ =	sfence.sel $0xFFFF  }
0xc2: {  	[dreg:$0x0] =	wrdreg $0xFFFFFFFF;
	(pc) =	sbr.abs _section_cstart, $3  }
0xc3: {  	[dreg:$0x1] =	wrdreg $0xFFFFFFFF  }
0xc4: {  	_ =	task.clear_ibuf [dreg:s9], $0x2FFFF;
	_ =	strace $0x9FFFFFFF  }
0xc5: {  	(tm) =	ssettm $0x7FFFFFFF  }
tec
execute0_lowered:
.L_overlay_start_1:
0x0: {  	(tag) =	ssettag $0x1  }
0x1: {  	s2 =	rddreg [dreg:$0x0]  }
0x2: {  	s0 =	rddreg [dreg:$0x1]  }
0x3: {  	s1 =	rddreg [dreg:$0x2];
	s4 =	srdreg.scid  }
0x4: {  	s3 =	simm.s32 $0x0;
	s5 =	stileid.u32;
	s4 =	sand.u32 $0x1, s4  }
0x5: {  	s28 =	simm.s32 $0x1;
	s5 =	sshll.u32 s5, $0x8;
	s6 =	sshll.u32 s4, $0x7  }
0x6: {  	s30 =	simm.s32 $0x2;
	[smem:$0x7FF] =	sst s3;
	s5 =	sor.u32 s6, s5  }
0x7: {  	s8 =	sadd.s32 $0x400, s2;
	s9 =	sadd.s32 $0x500, s2;
	s6 =	sshrl.u32 s5, $0x3  }
0x8: {  	s10 =	sadd.s32 $0x600, s2;
	s5 =	sshll.u32 s5, $0x9;
	s0 =	sadd.s32 s0, s6  }
0x9: {  	_ =	strace $0x80000047;
	s19 =	sadd.s32 s1, s5;
	[dreg:$0x4] =	wrdreg s0  }
0xa: {  	s11 =	sadd.s32 $0x700, s2;
	s13 =	sadd.s32 $0x1000, s19;
	[dreg:$0x14] =	wrdreg s19  }
0xb: {  	s12 =	sadd.s32 $0x800, s2;
	s14 =	sadd.s32 $0x2000, s19;
	[dreg:$0x5] =	wrdreg s13  }
0xc: {  	s4 =	ssub.s32 $0x2, s4;
	s15 =	sadd.s32 $0x3000, s19;
	[dreg:$0x6] =	wrdreg s14  }
0xd: {  	s7 =	sshrl.u32 s4, $0x1;
	s16 =	sadd.s32 $0x4000, s19;
	[dreg:$0x7] =	wrdreg s15  }
0xe: {  	s4 =	ssub.s32 s4, s7;
	s17 =	sadd.s32 $0x5000, s19;
	[dreg:$0x8] =	wrdreg s16  }
0xf: {  	s7 =	sadd.s32 $0x300, s2;
	s18 =	sadd.s32 $0x6000, s19;
	[dreg:$0x9] =	wrdreg s17  }
0x10: {  	s5 =	sadd.s32 $0x100, s2;
	s20 =	sadd.s32 $0x7000, s19;
	[dreg:$0xa] =	wrdreg s18  }
0x11: {  	s6 =	sadd.s32 $0x200, s2;
	s21 =	sadd.s32 $0x8000, s19;
	[dreg:$0xb] =	wrdreg s20  }
0x12: {  	s22 =	sadd.s32 $0x9000, s19;
	s23 =	sadd.s32 $0xA000, s19;
	[dreg:$0xc] =	wrdreg s21  }
0x13: {  	s24 =	sadd.s32 $0xB000, s19;
	s25 =	sadd.s32 $0xC000, s19;
	[dreg:$0xd] =	wrdreg s22  }
0x14: {  	s26 =	sadd.s32 $0xD000, s19;
	s29 =	sadd.s32 $0xE000, s19;
	[dreg:$0xe] =	wrdreg s23  }
0x15: {  	s31 =	sadd.s32 $0xF000, s19;
	s19 =	sadd.s32 $0xF00, s2;
	[dreg:$0xf] =	wrdreg s24  }
0x16: {  	s0 =	smax.u32 s4, $0x1;
	s13 =	sadd.s32 $0x900, s2;
	[dreg:$0x10] =	wrdreg s25  }
0x17: {  	v0 =	vlaneseq.u32;
	s14 =	sadd.s32 $0xA00, s2;
	s15 =	sadd.s32 $0xB00, s2;
	[dreg:$0x11] =	wrdreg s26  }
0x18: {  	v1 =	vshrl.u32 v0, $0x3;
	s16 =	sadd.s32 $0xC00, s2;
	s17 =	sadd.s32 $0xD00, s2;
	[dreg:$0x12] =	wrdreg s29  }
0x19: {  	vm0 =	vmmov $0xffff;
	v0 =	vand.u32 $0x7, v0;
	v1 =	vmul.u32 $0x8, v1;
	s18 =	sadd.s32 $0xE00, s2;
	[dreg:$0x13] =	wrdreg s31;
	s20 =	simm.s32 $0x80  }
.LBB2_1:
0x1a: {  	[dreg:$0x15] =	wrdreg s0  }
0x1b: {  	s31 =	rddreg [dreg:$0x4];
	s1 =	simm.s32 $0x3  }
0x1c: {  	[tilespmem:s3], [sflag:$0x3] =	stream.linear.gather [hbm4b:s31+s3], $0x80, $0x38;
	[tilespmem:$0x18080] =	vst v63  }
0x1d: {  	_ =	swait.ge [sflag:s1], $0x80  }
0x1e: {  	[sflag:s1] =	ssyncset.done $0x0  }
0x1f: {  	[sflag:s1] =	ssyncadd.s32 $0xFFFFFF80  }
0x20: {  	v2 =	vld.msk [tilespmem:$0x0], $0xff;
	_ =	sdelay $0x4  }
0x21: {  	v3 =	vshll.u32 v2, $0x5  }
0x22: {  	v2 =	vand.u32 $0x7, v2;
	v3 =	vand.u32 $0xFFFFFF00, v3  }
0x23: {  	v2 =	vor.u32 v2, v3  }
0x24: {  	v2 =	vperm.xlane v2, v0;
	_ =	sdelay $0x1  }
0x25: {  	v2 =	vadd.s32 v1, v2;
	_ =	sdelay $0x3  }
0x26: {  	s4 =	rddreg [dreg:$0x0]  }
0x27: {  	[tilespmem:s20], [sflag:$0x1] =	stream.indirect_vreg.gather [hbm4b:s4+s3], $0x80, v2, vm0, $0xb8;
	[tilespmem:$0x18080] =	vst v63  }
0x28: {  	s2 =	simm.s32 $0x880  }
0x29: {  	[tilespmem:s2], [sflag:$0x1] =	stream.indirect_vreg.gather [hbm4b:s5+s3], $0x80, v2, vm0, $0xb8;
	[tilespmem:$0x18080] =	vst v63  }
0x2a: {  	s21 =	simm.s32 $0x1080  }
0x2b: {  	[tilespmem:s21], [sflag:$0x1] =	stream.indirect_vreg.gather [hbm4b:s6+s3], $0x80, v2, vm0, $0xb8;
	[tilespmem:$0x18080] =	vst v63  }
0x2c: {  	s22 =	simm.s32 $0x1880  }
0x2d: {  	[tilespmem:s22], [sflag:$0x1] =	stream.indirect_vreg.gather [hbm4b:s7+s3], $0x80, v2, vm0, $0xb8;
	[tilespmem:$0x18080] =	vst v63  }
0x2e: {  	s23 =	simm.s32 $0x2080  }
0x2f: {  	[tilespmem:s23], [sflag:$0x1] =	stream.indirect_vreg.gather [hbm4b:s8+s3], $0x80, v2, vm0, $0xb8;
	[tilespmem:$0x18080] =	vst v63  }
0x30: {  	s24 =	simm.s32 $0x2880  }
0x31: {  	[tilespmem:s24], [sflag:$0x1] =	stream.indirect_vreg.gather [hbm4b:s9+s3], $0x80, v2, vm0, $0xb8;
	[tilespmem:$0x18080] =	vst v63  }
0x32: {  	s25 =	simm.s32 $0x3080  }
0x33: {  	[tilespmem:s25], [sflag:$0x1] =	stream.indirect_vreg.gather [hbm4b:s10+s3], $0x80, v2, vm0, $0xb8;
	[tilespmem:$0x18080] =	vst v63  }
0x34: {  	s29 =	simm.s32 $0x3880  }
0x35: {  	[tilespmem:s29], [sflag:$0x1] =	stream.indirect_vreg.gather [hbm4b:s11+s3], $0x80, v2, vm0, $0xb8;
	[tilespmem:$0x18080] =	vst v63  }
0x36: {  	s31 =	simm.s32 $0x4080  }
0x37: {  	[tilespmem:s31], [sflag:$0x1] =	stream.indirect_vreg.gather [hbm4b:s12+s3], $0x80, v2, vm0, $0xb8;
	[tilespmem:$0x18080] =	vst v63  }
0x38: {  	s2 =	simm.s32 $0x4880  }
0x39: {  	[tilespmem:s2], [sflag:$0x1] =	stream.indirect_vreg.gather [hbm4b:s13+s3], $0x80, v2, vm0, $0xb8;
	[tilespmem:$0x18080] =	vst v63  }
0x3a: {  	s21 =	simm.s32 $0x5080  }
0x3b: {  	[tilespmem:s21], [sflag:$0x1] =	stream.indirect_vreg.gather [hbm4b:s14+s3], $0x80, v2, vm0, $0xb8;
	[tilespmem:$0x18080] =	vst v63  }
0x3c: {  	s29 =	simm.s32 $0x5880  }
0x3d: {  	[tilespmem:s29], [sflag:$0x1] =	stream.indirect_vreg.gather [hbm4b:s15+s3], $0x80, v2, vm0, $0xb8;
	[tilespmem:$0x18080] =	vst v63  }
0x3e: {  	s31 =	simm.s32 $0x6080  }
0x3f: {  	[tilespmem:s31], [sflag:$0x1] =	stream.indirect_vreg.gather [hbm4b:s16+s3], $0x80, v2, vm0, $0xb8;
	[tilespmem:$0x18080] =	vst v63  }
0x40: {  	s2 =	simm.s32 $0x6880  }
0x41: {  	[tilespmem:s2], [sflag:$0x1] =	stream.indirect_vreg.gather [hbm4b:s17+s3], $0x80, v2, vm0, $0xb8;
	[tilespmem:$0x18080] =	vst v63  }
0x42: {  	s21 =	simm.s32 $0x7080  }
0x43: {  	[tilespmem:s21], [sflag:$0x1] =	stream.indirect_vreg.gather [hbm4b:s18+s3], $0x80, v2, vm0, $0xb8;
	[tilespmem:$0x18080] =	vst v63  }
0x44: {  	s29 =	simm.s32 $0x7880  }
0x45: {  	[tilespmem:s29], [sflag:$0x1] =	stream.indirect_vreg.gather [hbm4b:s19+s3], $0x80, v2, vm0, $0xb8;
	[tilespmem:$0x18080] =	vst v63  }
0x46: {  	v2 =	vld.msk [tilespmem:$0x8], $0xff;
	_ =	sdelay $0x4  }
0x47: {  	v3 =	vshll.u32 v2, $0x5  }
0x48: {  	v2 =	vand.u32 $0x7, v2;
	v3 =	vand.u32 $0xFFFFFF00, v3  }
0x49: {  	v2 =	vor.u32 v2, v3  }
0x4a: {  	v2 =	vperm.xlane v2, v0;
	_ =	sdelay $0x1  }
0x4b: {  	v2 =	vadd.s32 v1, v2;
	_ =	sdelay $0x3  }
0x4c: {  	s31 =	simm.s32 $0x8080  }
0x4d: {  	[tilespmem:s31], [sflag:$0x1] =	stream.indirect_vreg.gather [hbm4b:s4+s3], $0x80, v2, vm0, $0xb8;
	[tilespmem:$0x18080] =	vst v63  }
0x4e: {  	s2 =	simm.s32 $0x8880  }
0x4f: {  	[tilespmem:s2], [sflag:$0x1] =	stream.indirect_vreg.gather [hbm4b:s5+s3], $0x80, v2, vm0, $0xb8;
	[tilespmem:$0x18080] =	vst v63  }
0x50: {  	s21 =	simm.s32 $0x9080  }
0x51: {  	[tilespmem:s21], [sflag:$0x1] =	stream.indirect_vreg.gather [hbm4b:s6+s3], $0x80, v2, vm0, $0xb8;
	[tilespmem:$0x18080] =	vst v63  }
0x52: {  	s31 =	simm.s32 $0x9880  }
0x53: {  	[tilespmem:s31], [sflag:$0x1] =	stream.indirect_vreg.gather [hbm4b:s7+s3], $0x80, v2, vm0, $0xb8;
	[tilespmem:$0x18080] =	vst v63  }
0x54: {  	s2 =	simm.s32 $0xA080  }
0x55: {  	[tilespmem:s2], [sflag:$0x1] =	stream.indirect_vreg.gather [hbm4b:s8+s3], $0x80, v2, vm0, $0xb8;
	[tilespmem:$0x18080] =	vst v63  }
0x56: {  	s21 =	simm.s32 $0xA880  }
0x57: {  	[tilespmem:s21], [sflag:$0x1] =	stream.indirect_vreg.gather [hbm4b:s9+s3], $0x80, v2, vm0, $0xb8;
	[tilespmem:$0x18080] =	vst v63  }
0x58: {  	s31 =	simm.s32 $0xB080  }
0x59: {  	[tilespmem:s31], [sflag:$0x1] =	stream.indirect_vreg.gather [hbm4b:s10+s3], $0x80, v2, vm0, $0xb8;
	[tilespmem:$0x18080] =	vst v63  }
0x5a: {  	s2 =	simm.s32 $0xB880  }
0x5b: {  	[tilespmem:s2], [sflag:$0x1] =	stream.indirect_vreg.gather [hbm4b:s11+s3], $0x80, v2, vm0, $0xb8;
	[tilespmem:$0x18080] =	vst v63  }
0x5c: {  	s21 =	simm.s32 $0xC080  }
0x5d: {  	[tilespmem:s21], [sflag:$0x1] =	stream.indirect_vreg.gather [hbm4b:s12+s3], $0x80, v2, vm0, $0xb8;
	[tilespmem:$0x18080] =	vst v63  }
0x5e: {  	s31 =	simm.s32 $0xC880  }
0x5f: {  	[tilespmem:s31], [sflag:$0x1] =	stream.indirect_vreg.gather [hbm4b:s13+s3], $0x80, v2, vm0, $0xb8;
	[tilespmem:$0x18080] =	vst v63  }
0x60: {  	s2 =	simm.s32 $0xD080  }
0x61: {  	[tilespmem:s2], [sflag:$0x1] =	stream.indirect_vreg.gather [hbm4b:s14+s3], $0x80, v2, vm0, $0xb8;
	[tilespmem:$0x18080] =	vst v63  }
0x62: {  	s21 =	simm.s32 $0xD880  }
0x63: {  	[tilespmem:s21], [sflag:$0x1] =	stream.indirect_vreg.gather [hbm4b:s15+s3], $0x80, v2, vm0, $0xb8;
	[tilespmem:$0x18080] =	vst v63  }
0x64: {  	s31 =	simm.s32 $0xE080  }
0x65: {  	[tilespmem:s31], [sflag:$0x1] =	stream.indirect_vreg.gather [hbm4b:s16+s3], $0x80, v2, vm0, $0xb8;
	[tilespmem:$0x18080] =	vst v63  }
0x66: {  	s2 =	simm.s32 $0xE880  }
0x67: {  	[tilespmem:s2], [sflag:$0x1] =	stream.indirect_vreg.gather [hbm4b:s17+s3], $0x80, v2, vm0, $0xb8;
	[tilespmem:$0x18080] =	vst v63  }
0x68: {  	s21 =	simm.s32 $0xF080  }
0x69: {  	[tilespmem:s21], [sflag:$0x1] =	stream.indirect_vreg.gather [hbm4b:s18+s3], $0x80, v2, vm0, $0xb8;
	[tilespmem:$0x18080] =	vst v63  }
0x6a: {  	s31 =	simm.s32 $0xF880  }
0x6b: {  	[tilespmem:s31], [sflag:$0x1] =	stream.indirect_vreg.gather [hbm4b:s19+s3], $0x80, v2, vm0, $0xb8;
	[tilespmem:$0x18080] =	vst v63  }
0x6c: {  	_ =	swait.ge [sflag:s28], $0x8000  }
0x6d: {  	[sflag:s28] =	ssyncset.done $0x0  }
0x6e: {  	s0 =	rddreg [dreg:$0x14];
	[sflag:s28] =	ssyncadd.s32 $0xFFFF8000  }
0x6f: {  	[hbm4b:s0+s3] =	stream.linear.scatter [tilespmem:s20], [sflag:$0x2], $0x8000, $0x38;
	[tilespmem:$0x18080] =	vst v63  }
0x70: {  	v2 =	vld.msk [tilespmem:$0x10], $0xff;
	_ =	sdelay $0x4  }
0x71: {  	v3 =	vshll.u32 v2, $0x5  }
0x72: {  	v2 =	vand.u32 $0x7, v2;
	v3 =	vand.u32 $0xFFFFFF00, v3  }
0x73: {  	v2 =	vor.u32 v2, v3  }
0x74: {  	v2 =	vperm.xlane v2, v0;
	_ =	sdelay $0x1  }
0x75: {  	v2 =	vadd.s32 v1, v2;
	_ =	sdelay $0x3  }
0x76: {  	s2 =	simm.s32 $0x10080  }
0x77: {  	[tilespmem:s2], [sflag:$0x1] =	stream.indirect_vreg.gather [hbm4b:s4+s3], $0x80, v2, vm0, $0xb8;
	[tilespmem:$0x18080] =	vst v63  }
0x78: {  	s21 =	simm.s32 $0x10880  }
0x79: {  	[tilespmem:s21], [sflag:$0x1] =	stream.indirect_vreg.gather [hbm4b:s5+s3], $0x80, v2, vm0, $0xb8;
	[tilespmem:$0x18080] =	vst v63  }
0x7a: {  	s31 =	simm.s32 $0x11080  }
0x7b: {  	[tilespmem:s31], [sflag:$0x1] =	stream.indirect_vreg.gather [hbm4b:s6+s3], $0x80, v2, vm0, $0xb8;
	[tilespmem:$0x18080] =	vst v63  }
0x7c: {  	s2 =	simm.s32 $0x11880  }
0x7d: {  	[tilespmem:s2], [sflag:$0x1] =	stream.indirect_vreg.gather [hbm4b:s7+s3], $0x80, v2, vm0, $0xb8;
	[tilespmem:$0x18080] =	vst v63  }
0x7e: {  	s21 =	simm.s32 $0x12080  }
0x7f: {  	[tilespmem:s21], [sflag:$0x1] =	stream.indirect_vreg.gather [hbm4b:s8+s3], $0x80, v2, vm0, $0xb8;
	[tilespmem:$0x18080] =	vst v63  }
0x80: {  	s31 =	simm.s32 $0x12880  }
0x81: {  	[tilespmem:s31], [sflag:$0x1] =	stream.indirect_vreg.gather [hbm4b:s9+s3], $0x80, v2, vm0, $0xb8;
	[tilespmem:$0x18080] =	vst v63  }
0x82: {  	s2 =	simm.s32 $0x13080  }
0x83: {  	[tilespmem:s2], [sflag:$0x1] =	stream.indirect_vreg.gather [hbm4b:s10+s3], $0x80, v2, vm0, $0xb8;
	[tilespmem:$0x18080] =	vst v63  }
0x84: {  	s21 =	simm.s32 $0x13880  }
0x85: {  	[tilespmem:s21], [sflag:$0x1] =	stream.indirect_vreg.gather [hbm4b:s11+s3], $0x80, v2, vm0, $0xb8;
	[tilespmem:$0x18080] =	vst v63  }
0x86: {  	s31 =	simm.s32 $0x14080  }
0x87: {  	[tilespmem:s31], [sflag:$0x1] =	stream.indirect_vreg.gather [hbm4b:s12+s3], $0x80, v2, vm0, $0xb8;
	[tilespmem:$0x18080] =	vst v63  }
0x88: {  	s2 =	simm.s32 $0x14880  }
0x89: {  	[tilespmem:s2], [sflag:$0x1] =	stream.indirect_vreg.gather [hbm4b:s13+s3], $0x80, v2, vm0, $0xb8;
	[tilespmem:$0x18080] =	vst v63  }
0x8a: {  	s21 =	simm.s32 $0x15080  }
0x8b: {  	[tilespmem:s21], [sflag:$0x1] =	stream.indirect_vreg.gather [hbm4b:s14+s3], $0x80, v2, vm0, $0xb8;
	[tilespmem:$0x18080] =	vst v63  }
0x8c: {  	s31 =	simm.s32 $0x15880  }
0x8d: {  	[tilespmem:s31], [sflag:$0x1] =	stream.indirect_vreg.gather [hbm4b:s15+s3], $0x80, v2, vm0, $0xb8;
	[tilespmem:$0x18080] =	vst v63  }
0x8e: {  	s2 =	simm.s32 $0x16080  }
0x8f: {  	[tilespmem:s2], [sflag:$0x1] =	stream.indirect_vreg.gather [hbm4b:s16+s3], $0x80, v2, vm0, $0xb8;
	[tilespmem:$0x18080] =	vst v63  }
0x90: {  	s21 =	simm.s32 $0x16880  }
0x91: {  	[tilespmem:s21], [sflag:$0x1] =	stream.indirect_vreg.gather [hbm4b:s17+s3], $0x80, v2, vm0, $0xb8;
	[tilespmem:$0x18080] =	vst v63  }
0x92: {  	s31 =	simm.s32 $0x17080  }
0x93: {  	[tilespmem:s31], [sflag:$0x1] =	stream.indirect_vreg.gather [hbm4b:s18+s3], $0x80, v2, vm0, $0xb8;
	[tilespmem:$0x18080] =	vst v63  }
0x94: {  	s2 =	simm.s32 $0x17880  }
0x95: {  	[tilespmem:s2], [sflag:$0x1] =	stream.indirect_vreg.gather [hbm4b:s19+s3], $0x80, v2, vm0, $0xb8;
	[tilespmem:$0x18080] =	vst v63  }
0x96: {  	_ =	swait.ge [sflag:s28], $0x8000  }
0x97: {  	[sflag:s28] =	ssyncset.done $0x0  }
0x98: {  	s2 =	simm.s32 $0x8080;
	s21 =	rddreg [dreg:$0x5];
	[sflag:s28] =	ssyncadd.s32 $0xFFFF8000  }
0x99: {  	[hbm4b:s21+s3] =	stream.linear.scatter [tilespmem:s2], [sflag:$0x2], $0x8000, $0x38;
	[tilespmem:$0x18080] =	vst v63  }
0x9a: {  	_ =	swait.ge [sflag:s30], $0x8000  }
0x9b: {  	[sflag:s30] =	ssyncset.done $0x0  }
0x9c: {  	[sflag:s30] =	ssyncadd.s32 $0xFFFF8000  }
0x9d: {  	v2 =	vld.msk [tilespmem:$0x18], $0xff;
	_ =	sdelay $0x4  }
0x9e: {  	v3 =	vshll.u32 v2, $0x5  }
0x9f: {  	v2 =	vand.u32 $0x7, v2;
	v3 =	vand.u32 $0xFFFFFF00, v3  }
0xa0: {  	v2 =	vor.u32 v2, v3  }
0xa1: {  	v2 =	vperm.xlane v2, v0;
	_ =	sdelay $0x1  }
0xa2: {  	v2 =	vadd.s32 v1, v2;
	_ =	sdelay $0x4  }
0xa3: {  	[tilespmem:s20], [sflag:$0x1] =	stream.indirect_vreg.gather [hbm4b:s4+s3], $0x80, v2, vm0, $0xb8;
	[tilespmem:$0x18080] =	vst v63  }
0xa4: {  	s21 =	simm.s32 $0x880  }
0xa5: {  	[tilespmem:s21], [sflag:$0x1] =	stream.indirect_vreg.gather [hbm4b:s5+s3], $0x80, v2, vm0, $0xb8;
	[tilespmem:$0x18080] =	vst v63  }
0xa6: {  	s26 =	simm.s32 $0x1080  }
0xa7: {  	[tilespmem:s26], [sflag:$0x1] =	stream.indirect_vreg.gather [hbm4b:s6+s3], $0x80, v2, vm0, $0xb8;
	[tilespmem:$0x18080] =	vst v63  }
0xa8: {  	s22 =	simm.s32 $0x1880  }
0xa9: {  	[tilespmem:s22], [sflag:$0x1] =	stream.indirect_vreg.gather [hbm4b:s7+s3], $0x80, v2, vm0, $0xb8;
	[tilespmem:$0x18080] =	vst v63  }
0xaa: {  	s1 =	simm.s32 $0x2080  }
0xab: {  	[tilespmem:s1], [sflag:$0x1] =	stream.indirect_vreg.gather [hbm4b:s8+s3], $0x80, v2, vm0, $0xb8;
	[tilespmem:$0x18080] =	vst v63  }
0xac: {  	s24 =	simm.s32 $0x2880  }
0xad: {  	[tilespmem:s24], [sflag:$0x1] =	stream.indirect_vreg.gather [hbm4b:s9+s3], $0x80, v2, vm0, $0xb8;
	[tilespmem:$0x18080] =	vst v63  }
0xae: {  	s23 =	simm.s32 $0x3080  }
0xaf: {  	[tilespmem:s23], [sflag:$0x1] =	stream.indirect_vreg.gather [hbm4b:s10+s3], $0x80, v2, vm0, $0xb8;
	[tilespmem:$0x18080] =	vst v63  }
0xb0: {  	s25 =	simm.s32 $0x3880  }
0xb1: {  	[tilespmem:s25], [sflag:$0x1] =	stream.indirect_vreg.gather [hbm4b:s11+s3], $0x80, v2, vm0, $0xb8;
	[tilespmem:$0x18080] =	vst v63  }
0xb2: {  	s25 =	simm.s32 $0x4080  }
0xb3: {  	[tilespmem:s25], [sflag:$0x1] =	stream.indirect_vreg.gather [hbm4b:s12+s3], $0x80, v2, vm0, $0xb8;
	[tilespmem:$0x18080] =	vst v63  }
0xb4: {  	s26 =	simm.s32 $0x4880  }
0xb5: {  	[tilespmem:s26], [sflag:$0x1] =	stream.indirect_vreg.gather [hbm4b:s13+s3], $0x80, v2, vm0, $0xb8;
	[tilespmem:$0x18080] =	vst v63  }
0xb6: {  	s22 =	simm.s32 $0x5080  }
0xb7: {  	[tilespmem:s22], [sflag:$0x1] =	stream.indirect_vreg.gather [hbm4b:s14+s3], $0x80, v2, vm0, $0xb8;
	[tilespmem:$0x18080] =	vst v63  }
0xb8: {  	s23 =	simm.s32 $0x5880  }
0xb9: {  	[tilespmem:s23], [sflag:$0x1] =	stream.indirect_vreg.gather [hbm4b:s15+s3], $0x80, v2, vm0, $0xb8;
	[tilespmem:$0x18080] =	vst v63  }
0xba: {  	s24 =	simm.s32 $0x6080  }
0xbb: {  	[tilespmem:s24], [sflag:$0x1] =	stream.indirect_vreg.gather [hbm4b:s16+s3], $0x80, v2, vm0, $0xb8;
	[tilespmem:$0x18080] =	vst v63  }
0xbc: {  	s23 =	simm.s32 $0x6880  }
0xbd: {  	[tilespmem:s23], [sflag:$0x1] =	stream.indirect_vreg.gather [hbm4b:s17+s3], $0x80, v2, vm0, $0xb8;
	[tilespmem:$0x18080] =	vst v63  }
0xbe: {  	s24 =	simm.s32 $0x7080  }
0xbf: {  	[tilespmem:s24], [sflag:$0x1] =	stream.indirect_vreg.gather [hbm4b:s18+s3], $0x80, v2, vm0, $0xb8;
	[tilespmem:$0x18080] =	vst v63  }
0xc0: {  	s31 =	simm.s32 $0x7880  }
0xc1: {  	[tilespmem:s31], [sflag:$0x1] =	stream.indirect_vreg.gather [hbm4b:s19+s3], $0x80, v2, vm0, $0xb8;
	[tilespmem:$0x18080] =	vst v63  }
0xc2: {  	_ =	swait.ge [sflag:s28], $0x8000  }
0xc3: {  	[sflag:s28] =	ssyncset.done $0x0  }
0xc4: {  	s1 =	simm.s32 $0x10080;
	s0 =	rddreg [dreg:$0x6];
	[sflag:s28] =	ssyncadd.s32 $0xFFFF8000  }
0xc5: {  	[hbm4b:s0+s3] =	stream.linear.scatter [tilespmem:s1], [sflag:$0x2], $0x8000, $0x38;
	[tilespmem:$0x18080] =	vst v63  }
0xc6: {  	_ =	swait.ge [sflag:s30], $0x8000  }
0xc7: {  	[sflag:s30] =	ssyncset.done $0x0  }
0xc8: {  	[sflag:s30] =	ssyncadd.s32 $0xFFFF8000  }
0xc9: {  	v2 =	vld.msk [tilespmem:$0x20], $0xff;
	_ =	sdelay $0x4  }
0xca: {  	v3 =	vshll.u32 v2, $0x5  }
0xcb: {  	v2 =	vand.u32 $0x7, v2;
	v3 =	vand.u32 $0xFFFFFF00, v3  }
0xcc: {  	v2 =	vor.u32 v2, v3  }
0xcd: {  	v2 =	vperm.xlane v2, v0;
	_ =	sdelay $0x1  }
0xce: {  	v2 =	vadd.s32 v1, v2;
	_ =	sdelay $0x4  }
0xcf: {  	[tilespmem:s2], [sflag:$0x1] =	stream.indirect_vreg.gather [hbm4b:s4+s3], $0x80, v2, vm0, $0xb8;
	[tilespmem:$0x18080] =	vst v63  }
0xd0: {  	s29 =	simm.s32 $0x8880  }
0xd1: {  	[tilespmem:s29], [sflag:$0x1] =	stream.indirect_vreg.gather [hbm4b:s5+s3], $0x80, v2, vm0, $0xb8;
	[tilespmem:$0x18080] =	vst v63  }
0xd2: {  	s2 =	simm.s32 $0x9080  }
0xd3: {  	[tilespmem:s2], [sflag:$0x1] =	stream.indirect_vreg.gather [hbm4b:s6+s3], $0x80, v2, vm0, $0xb8;
	[tilespmem:$0x18080] =	vst v63  }
0xd4: {  	s31 =	simm.s32 $0x9880  }
0xd5: {  	[tilespmem:s31], [sflag:$0x1] =	stream.indirect_vreg.gather [hbm4b:s7+s3], $0x80, v2, vm0, $0xb8;
	[tilespmem:$0x18080] =	vst v63  }
0xd6: {  	s31 =	simm.s32 $0xA080  }
0xd7: {  	[tilespmem:s31], [sflag:$0x1] =	stream.indirect_vreg.gather [hbm4b:s8+s3], $0x80, v2, vm0, $0xb8;
	[tilespmem:$0x18080] =	vst v63  }
0xd8: {  	s31 =	simm.s32 $0xA880  }
0xd9: {  	[tilespmem:s31], [sflag:$0x1] =	stream.indirect_vreg.gather [hbm4b:s9+s3], $0x80, v2, vm0, $0xb8;
	[tilespmem:$0x18080] =	vst v63  }
0xda: {  	s31 =	simm.s32 $0xB080  }
0xdb: {  	[tilespmem:s31], [sflag:$0x1] =	stream.indirect_vreg.gather [hbm4b:s10+s3], $0x80, v2, vm0, $0xb8;
	[tilespmem:$0x18080] =	vst v63  }
0xdc: {  	s31 =	simm.s32 $0xB880  }
0xdd: {  	[tilespmem:s31], [sflag:$0x1] =	stream.indirect_vreg.gather [hbm4b:s11+s3], $0x80, v2, vm0, $0xb8;
	[tilespmem:$0x18080] =	vst v63  }
0xde: {  	s31 =	simm.s32 $0xC080  }
0xdf: {  	[tilespmem:s31], [sflag:$0x1] =	stream.indirect_vreg.gather [hbm4b:s12+s3], $0x80, v2, vm0, $0xb8;
	[tilespmem:$0x18080] =	vst v63  }
0xe0: {  	s31 =	simm.s32 $0xC880  }
0xe1: {  	[tilespmem:s31], [sflag:$0x1] =	stream.indirect_vreg.gather [hbm4b:s13+s3], $0x80, v2, vm0, $0xb8;
	[tilespmem:$0x18080] =	vst v63  }
0xe2: {  	s31 =	simm.s32 $0xD080  }
0xe3: {  	[tilespmem:s31], [sflag:$0x1] =	stream.indirect_vreg.gather [hbm4b:s14+s3], $0x80, v2, vm0, $0xb8;
	[tilespmem:$0x18080] =	vst v63  }
0xe4: {  	s31 =	simm.s32 $0xD880  }
0xe5: {  	[tilespmem:s31], [sflag:$0x1] =	stream.indirect_vreg.gather [hbm4b:s15+s3], $0x80, v2, vm0, $0xb8;
	[tilespmem:$0x18080] =	vst v63  }
0xe6: {  	s31 =	simm.s32 $0xE080  }
0xe7: {  	[tilespmem:s31], [sflag:$0x1] =	stream.indirect_vreg.gather [hbm4b:s16+s3], $0x80, v2, vm0, $0xb8;
	[tilespmem:$0x18080] =	vst v63  }
0xe8: {  	s31 =	simm.s32 $0xE880  }
0xe9: {  	[tilespmem:s31], [sflag:$0x1] =	stream.indirect_vreg.gather [hbm4b:s17+s3], $0x80, v2, vm0, $0xb8;
	[tilespmem:$0x18080] =	vst v63  }
0xea: {  	s31 =	simm.s32 $0xF080  }
0xeb: {  	[tilespmem:s31], [sflag:$0x1] =	stream.indirect_vreg.gather [hbm4b:s18+s3], $0x80, v2, vm0, $0xb8;
	[tilespmem:$0x18080] =	vst v63  }
0xec: {  	s31 =	simm.s32 $0xF880  }
0xed: {  	[tilespmem:s31], [sflag:$0x1] =	stream.indirect_vreg.gather [hbm4b:s19+s3], $0x80, v2, vm0, $0xb8;
	[tilespmem:$0x18080] =	vst v63  }
0xee: {  	_ =	swait.ge [sflag:s28], $0x8000  }
0xef: {  	[sflag:s28] =	ssyncset.done $0x0  }
0xf0: {  	s29 =	rddreg [dreg:$0x7];
	[sflag:s28] =	ssyncadd.s32 $0xFFFF8000  }
0xf1: {  	[hbm4b:s29+s3] =	stream.linear.scatter [tilespmem:s20], [sflag:$0x2], $0x8000, $0x38;
	[tilespmem:$0x18080] =	vst v63  }
0xf2: {  	_ =	swait.ge [sflag:s30], $0x8000  }
0xf3: {  	[sflag:s30] =	ssyncset.done $0x0  }
0xf4: {  	[sflag:s30] =	ssyncadd.s32 $0xFFFF8000  }
0xf5: {  	v2 =	vld.msk [tilespmem:$0x28], $0xff;
	_ =	sdelay $0x4  }
0xf6: {  	v3 =	vshll.u32 v2, $0x5  }
0xf7: {  	v2 =	vand.u32 $0x7, v2;
	v3 =	vand.u32 $0xFFFFFF00, v3  }
0xf8: {  	v2 =	vor.u32 v2, v3  }
0xf9: {  	v2 =	vperm.xlane v2, v0;
	_ =	sdelay $0x1  }
0xfa: {  	v2 =	vadd.s32 v1, v2;
	_ =	sdelay $0x4  }
0xfb: {  	[tilespmem:s1], [sflag:$0x1] =	stream.indirect_vreg.gather [hbm4b:s4+s3], $0x80, v2, vm0, $0xb8;
	[tilespmem:$0x18080] =	vst v63  }
0xfc: {  	s31 =	simm.s32 $0x10880  }
0xfd: {  	[tilespmem:s31], [sflag:$0x1] =	stream.indirect_vreg.gather [hbm4b:s5+s3], $0x80, v2, vm0, $0xb8;
	[tilespmem:$0x18080] =	vst v63  }
0xfe: {  	s31 =	simm.s32 $0x11080  }
0xff: {  	[tilespmem:s31], [sflag:$0x1] =	stream.indirect_vreg.gather [hbm4b:s6+s3], $0x80, v2, vm0, $0xb8;
	[tilespmem:$0x18080] =	vst v63  }
0x100: {  	s29 =	simm.s32 $0x11880  }
0x101: {  	[tilespmem:s29], [sflag:$0x1] =	stream.indirect_vreg.gather [hbm4b:s7+s3], $0x80, v2, vm0, $0xb8;
	[tilespmem:$0x18080] =	vst v63  }
0x102: {  	s31 =	simm.s32 $0x12080  }
0x103: {  	[tilespmem:s31], [sflag:$0x1] =	stream.indirect_vreg.gather [hbm4b:s8+s3], $0x80, v2, vm0, $0xb8;
	[tilespmem:$0x18080] =	vst v63  }
0x104: {  	s31 =	simm.s32 $0x12880  }
0x105: {  	[tilespmem:s31], [sflag:$0x1] =	stream.indirect_vreg.gather [hbm4b:s9+s3], $0x80, v2, vm0, $0xb8;
	[tilespmem:$0x18080] =	vst v63  }
0x106: {  	s31 =	simm.s32 $0x13080  }
0x107: {  	[tilespmem:s31], [sflag:$0x1] =	stream.indirect_vreg.gather [hbm4b:s10+s3], $0x80, v2, vm0, $0xb8;
	[tilespmem:$0x18080] =	vst v63  }
0x108: {  	s31 =	simm.s32 $0x13880  }
0x109: {  	[tilespmem:s31], [sflag:$0x1] =	stream.indirect_vreg.gather [hbm4b:s11+s3], $0x80, v2, vm0, $0xb8;
	[tilespmem:$0x18080] =	vst v63  }
0x10a: {  	s31 =	simm.s32 $0x14080  }
0x10b: {  	[tilespmem:s31], [sflag:$0x1] =	stream.indirect_vreg.gather [hbm4b:s12+s3], $0x80, v2, vm0, $0xb8;
	[tilespmem:$0x18080] =	vst v63  }
0x10c: {  	s31 =	simm.s32 $0x14880  }
0x10d: {  	[tilespmem:s31], [sflag:$0x1] =	stream.indirect_vreg.gather [hbm4b:s13+s3], $0x80, v2, vm0, $0xb8;
	[tilespmem:$0x18080] =	vst v63  }
0x10e: {  	s31 =	simm.s32 $0x15080  }
0x10f: {  	[tilespmem:s31], [sflag:$0x1] =	stream.indirect_vreg.gather [hbm4b:s14+s3], $0x80, v2, vm0, $0xb8;
	[tilespmem:$0x18080] =	vst v63  }
0x110: {  	s31 =	simm.s32 $0x15880  }
0x111: {  	[tilespmem:s31], [sflag:$0x1] =	stream.indirect_vreg.gather [hbm4b:s15+s3], $0x80, v2, vm0, $0xb8;
	[tilespmem:$0x18080] =	vst v63  }
0x112: {  	s31 =	simm.s32 $0x16080  }
0x113: {  	[tilespmem:s31], [sflag:$0x1] =	stream.indirect_vreg.gather [hbm4b:s16+s3], $0x80, v2, vm0, $0xb8;
	[tilespmem:$0x18080] =	vst v63  }
0x114: {  	s31 =	simm.s32 $0x16880  }
0x115: {  	[tilespmem:s31], [sflag:$0x1] =	stream.indirect_vreg.gather [hbm4b:s17+s3], $0x80, v2, vm0, $0xb8;
	[tilespmem:$0x18080] =	vst v63  }
0x116: {  	s31 =	simm.s32 $0x17080  }
0x117: {  	[tilespmem:s31], [sflag:$0x1] =	stream.indirect_vreg.gather [hbm4b:s18+s3], $0x80, v2, vm0, $0xb8;
	[tilespmem:$0x18080] =	vst v63  }
0x118: {  	s31 =	simm.s32 $0x17880  }
0x119: {  	[tilespmem:s31], [sflag:$0x1] =	stream.indirect_vreg.gather [hbm4b:s19+s3], $0x80, v2, vm0, $0xb8;
	[tilespmem:$0x18080] =	vst v63  }
0x11a: {  	_ =	swait.ge [sflag:s28], $0x8000  }
0x11b: {  	[sflag:s28] =	ssyncset.done $0x0  }
0x11c: {  	s0 =	simm.s32 $0x8080;
	s31 =	rddreg [dreg:$0x8];
	[sflag:s28] =	ssyncadd.s32 $0xFFFF8000  }
0x11d: {  	[hbm4b:s31+s3] =	stream.linear.scatter [tilespmem:s0], [sflag:$0x2], $0x8000, $0x38;
	[tilespmem:$0x18080] =	vst v63  }
0x11e: {  	_ =	swait.ge [sflag:s30], $0x8000  }
0x11f: {  	[sflag:s30] =	ssyncset.done $0x0  }
0x120: {  	[sflag:s30] =	ssyncadd.s32 $0xFFFF8000  }
0x121: {  	v2 =	vld.msk [tilespmem:$0x30], $0xff;
	_ =	sdelay $0x4  }
0x122: {  	v3 =	vshll.u32 v2, $0x5  }
0x123: {  	v2 =	vand.u32 $0x7, v2;
	v3 =	vand.u32 $0xFFFFFF00, v3  }
0x124: {  	v2 =	vor.u32 v2, v3  }
0x125: {  	v2 =	vperm.xlane v2, v0;
	_ =	sdelay $0x1  }
0x126: {  	v2 =	vadd.s32 v1, v2;
	_ =	sdelay $0x4  }
0x127: {  	[tilespmem:s20], [sflag:$0x1] =	stream.indirect_vreg.gather [hbm4b:s4+s3], $0x80, v2, vm0, $0xb8;
	[tilespmem:$0x18080] =	vst v63  }
0x128: {  	_ = 	snop  }
0x129: {  	[tilespmem:s21], [sflag:$0x1] =	stream.indirect_vreg.gather [hbm4b:s5+s3], $0x80, v2, vm0, $0xb8;
	[tilespmem:$0x18080] =	vst v63  }
0x12a: {  	s21 =	simm.s32 $0x1080  }
0x12b: {  	[tilespmem:s21], [sflag:$0x1] =	stream.indirect_vreg.gather [hbm4b:s6+s3], $0x80, v2, vm0, $0xb8;
	[tilespmem:$0x18080] =	vst v63  }
0x12c: {  	s31 =	simm.s32 $0x1880  }
0x12d: {  	[tilespmem:s31], [sflag:$0x1] =	stream.indirect_vreg.gather [hbm4b:s7+s3], $0x80, v2, vm0, $0xb8;
	[tilespmem:$0x18080] =	vst v63  }
0x12e: {  	s31 =	simm.s32 $0x2080  }
0x12f: {  	[tilespmem:s31], [sflag:$0x1] =	stream.indirect_vreg.gather [hbm4b:s8+s3], $0x80, v2, vm0, $0xb8;
	[tilespmem:$0x18080] =	vst v63  }
0x130: {  	s31 =	simm.s32 $0x2880  }
0x131: {  	[tilespmem:s31], [sflag:$0x1] =	stream.indirect_vreg.gather [hbm4b:s9+s3], $0x80, v2, vm0, $0xb8;
	[tilespmem:$0x18080] =	vst v63  }
0x132: {  	s31 =	simm.s32 $0x3080  }
0x133: {  	[tilespmem:s31], [sflag:$0x1] =	stream.indirect_vreg.gather [hbm4b:s10+s3], $0x80, v2, vm0, $0xb8;
	[tilespmem:$0x18080] =	vst v63  }
0x134: {  	s31 =	simm.s32 $0x3880  }
0x135: {  	[tilespmem:s31], [sflag:$0x1] =	stream.indirect_vreg.gather [hbm4b:s11+s3], $0x80, v2, vm0, $0xb8;
	[tilespmem:$0x18080] =	vst v63  }
0x136: {  	_ = 	snop  }
0x137: {  	[tilespmem:s25], [sflag:$0x1] =	stream.indirect_vreg.gather [hbm4b:s12+s3], $0x80, v2, vm0, $0xb8;
	[tilespmem:$0x18080] =	vst v63  }
0x138: {  	_ = 	snop  }
0x139: {  	[tilespmem:s26], [sflag:$0x1] =	stream.indirect_vreg.gather [hbm4b:s13+s3], $0x80, v2, vm0, $0xb8;
	[tilespmem:$0x18080] =	vst v63  }
0x13a: {  	_ = 	snop  }
0x13b: {  	[tilespmem:s22], [sflag:$0x1] =	stream.indirect_vreg.gather [hbm4b:s14+s3], $0x80, v2, vm0, $0xb8;
	[tilespmem:$0x18080] =	vst v63  }
0x13c: {  	s26 =	simm.s32 $0x5880  }
0x13d: {  	[tilespmem:s26], [sflag:$0x1] =	stream.indirect_vreg.gather [hbm4b:s15+s3], $0x80, v2, vm0, $0xb8;
	[tilespmem:$0x18080] =	vst v63  }
0x13e: {  	s31 =	simm.s32 $0x6080  }
0x13f: {  	[tilespmem:s31], [sflag:$0x1] =	stream.indirect_vreg.gather [hbm4b:s16+s3], $0x80, v2, vm0, $0xb8;
	[tilespmem:$0x18080] =	vst v63  }
0x140: {  	_ = 	snop  }
0x141: {  	[tilespmem:s23], [sflag:$0x1] =	stream.indirect_vreg.gather [hbm4b:s17+s3], $0x80, v2, vm0, $0xb8;
	[tilespmem:$0x18080] =	vst v63  }
0x142: {  	_ = 	snop  }
0x143: {  	[tilespmem:s24], [sflag:$0x1] =	stream.indirect_vreg.gather [hbm4b:s18+s3], $0x80, v2, vm0, $0xb8;
	[tilespmem:$0x18080] =	vst v63  }
0x144: {  	s22 =	simm.s32 $0x7880  }
0x145: {  	[tilespmem:s22], [sflag:$0x1] =	stream.indirect_vreg.gather [hbm4b:s19+s3], $0x80, v2, vm0, $0xb8;
	[tilespmem:$0x18080] =	vst v63  }
0x146: {  	_ =	swait.ge [sflag:s28], $0x8000  }
0x147: {  	[sflag:s28] =	ssyncset.done $0x0  }
0x148: {  	s1 =	simm.s32 $0x10080;
	s24 =	rddreg [dreg:$0x9];
	[sflag:s28] =	ssyncadd.s32 $0xFFFF8000  }
0x149: {  	[hbm4b:s24+s3] =	stream.linear.scatter [tilespmem:s1], [sflag:$0x2], $0x8000, $0x38;
	[tilespmem:$0x18080] =	vst v63  }
0x14a: {  	_ =	swait.ge [sflag:s30], $0x8000  }
0x14b: {  	[sflag:s30] =	ssyncset.done $0x0  }
0x14c: {  	[sflag:s30] =	ssyncadd.s32 $0xFFFF8000  }
0x14d: {  	v2 =	vld.msk [tilespmem:$0x38], $0xff;
	_ =	sdelay $0x4  }
0x14e: {  	v3 =	vshll.u32 v2, $0x5  }
0x14f: {  	v2 =	vand.u32 $0x7, v2;
	v3 =	vand.u32 $0xFFFFFF00, v3  }
0x150: {  	v2 =	vor.u32 v2, v3  }
0x151: {  	v2 =	vperm.xlane v2, v0;
	_ =	sdelay $0x1  }
0x152: {  	v2 =	vadd.s32 v1, v2;
	_ =	sdelay $0x3  }
0x153: {  	s0 =	simm.s32 $0x8080  }
0x154: {  	[tilespmem:s0], [sflag:$0x1] =	stream.indirect_vreg.gather [hbm4b:s4+s3], $0x80, v2, vm0, $0xb8;
	[tilespmem:$0x18080] =	vst v63  }
0x155: {  	s1 =	simm.s32 $0x8880  }
0x156: {  	[tilespmem:s1], [sflag:$0x1] =	stream.indirect_vreg.gather [hbm4b:s5+s3], $0x80, v2, vm0, $0xb8;
	[tilespmem:$0x18080] =	vst v63  }
0x157: {  	_ = 	snop  }
0x158: {  	[tilespmem:s2], [sflag:$0x1] =	stream.indirect_vreg.gather [hbm4b:s6+s3], $0x80, v2, vm0, $0xb8;
	[tilespmem:$0x18080] =	vst v63  }
0x159: {  	s25 =	simm.s32 $0x9880  }
0x15a: {  	[tilespmem:s25], [sflag:$0x1] =	stream.indirect_vreg.gather [hbm4b:s7+s3], $0x80, v2, vm0, $0xb8;
	[tilespmem:$0x18080] =	vst v63  }
0x15b: {  	s26 =	simm.s32 $0xA080  }
0x15c: {  	[tilespmem:s26], [sflag:$0x1] =	stream.indirect_vreg.gather [hbm4b:s8+s3], $0x80, v2, vm0, $0xb8;
	[tilespmem:$0x18080] =	vst v63  }
0x15d: {  	s31 =	simm.s32 $0xA880  }
0x15e: {  	[tilespmem:s31], [sflag:$0x1] =	stream.indirect_vreg.gather [hbm4b:s9+s3], $0x80, v2, vm0, $0xb8;
	[tilespmem:$0x18080] =	vst v63  }
0x15f: {  	s31 =	simm.s32 $0xB080  }
0x160: {  	[tilespmem:s31], [sflag:$0x1] =	stream.indirect_vreg.gather [hbm4b:s10+s3], $0x80, v2, vm0, $0xb8;
	[tilespmem:$0x18080] =	vst v63  }
0x161: {  	s31 =	simm.s32 $0xB880  }
0x162: {  	[tilespmem:s31], [sflag:$0x1] =	stream.indirect_vreg.gather [hbm4b:s11+s3], $0x80, v2, vm0, $0xb8;
	[tilespmem:$0x18080] =	vst v63  }
0x163: {  	s31 =	simm.s32 $0xC080  }
0x164: {  	[tilespmem:s31], [sflag:$0x1] =	stream.indirect_vreg.gather [hbm4b:s12+s3], $0x80, v2, vm0, $0xb8;
	[tilespmem:$0x18080] =	vst v63  }
0x165: {  	s31 =	simm.s32 $0xC880  }
0x166: {  	[tilespmem:s31], [sflag:$0x1] =	stream.indirect_vreg.gather [hbm4b:s13+s3], $0x80, v2, vm0, $0xb8;
	[tilespmem:$0x18080] =	vst v63  }
0x167: {  	s31 =	simm.s32 $0xD080  }
0x168: {  	[tilespmem:s31], [sflag:$0x1] =	stream.indirect_vreg.gather [hbm4b:s14+s3], $0x80, v2, vm0, $0xb8;
	[tilespmem:$0x18080] =	vst v63  }
0x169: {  	s31 =	simm.s32 $0xD880  }
0x16a: {  	[tilespmem:s31], [sflag:$0x1] =	stream.indirect_vreg.gather [hbm4b:s15+s3], $0x80, v2, vm0, $0xb8;
	[tilespmem:$0x18080] =	vst v63  }
0x16b: {  	s31 =	simm.s32 $0xE080  }
0x16c: {  	[tilespmem:s31], [sflag:$0x1] =	stream.indirect_vreg.gather [hbm4b:s16+s3], $0x80, v2, vm0, $0xb8;
	[tilespmem:$0x18080] =	vst v63  }
0x16d: {  	s31 =	simm.s32 $0xE880  }
0x16e: {  	[tilespmem:s31], [sflag:$0x1] =	stream.indirect_vreg.gather [hbm4b:s17+s3], $0x80, v2, vm0, $0xb8;
	[tilespmem:$0x18080] =	vst v63  }
0x16f: {  	s31 =	simm.s32 $0xF080  }
0x170: {  	[tilespmem:s31], [sflag:$0x1] =	stream.indirect_vreg.gather [hbm4b:s18+s3], $0x80, v2, vm0, $0xb8;
	[tilespmem:$0x18080] =	vst v63  }
0x171: {  	s31 =	simm.s32 $0xF880  }
0x172: {  	[tilespmem:s31], [sflag:$0x1] =	stream.indirect_vreg.gather [hbm4b:s19+s3], $0x80, v2, vm0, $0xb8;
	[tilespmem:$0x18080] =	vst v63  }
0x173: {  	_ =	swait.ge [sflag:s28], $0x8000  }
0x174: {  	[sflag:s28] =	ssyncset.done $0x0  }
0x175: {  	s2 =	rddreg [dreg:$0xa];
	[sflag:s28] =	ssyncadd.s32 $0xFFFF8000  }
0x176: {  	[hbm4b:s2+s3] =	stream.linear.scatter [tilespmem:s20], [sflag:$0x2], $0x8000, $0x38;
	[tilespmem:$0x18080] =	vst v63  }
0x177: {  	_ =	swait.ge [sflag:s30], $0x8000  }
0x178: {  	[sflag:s30] =	ssyncset.done $0x0  }
0x179: {  	[sflag:s30] =	ssyncadd.s32 $0xFFFF8000  }
0x17a: {  	v2 =	vld.msk [tilespmem:$0x40], $0xff;
	_ =	sdelay $0x4  }
0x17b: {  	v3 =	vshll.u32 v2, $0x5  }
0x17c: {  	v2 =	vand.u32 $0x7, v2;
	v3 =	vand.u32 $0xFFFFFF00, v3  }
0x17d: {  	v2 =	vor.u32 v2, v3  }
0x17e: {  	v2 =	vperm.xlane v2, v0;
	_ =	sdelay $0x1  }
0x17f: {  	v2 =	vadd.s32 v1, v2;
	_ =	sdelay $0x3  }
0x180: {  	s23 =	simm.s32 $0x10080  }
0x181: {  	[tilespmem:s23], [sflag:$0x1] =	stream.indirect_vreg.gather [hbm4b:s4+s3], $0x80, v2, vm0, $0xb8;
	[tilespmem:$0x18080] =	vst v63  }
0x182: {  	s31 =	simm.s32 $0x10880  }
0x183: {  	[tilespmem:s31], [sflag:$0x1] =	stream.indirect_vreg.gather [hbm4b:s5+s3], $0x80, v2, vm0, $0xb8;
	[tilespmem:$0x18080] =	vst v63  }
0x184: {  	s31 =	simm.s32 $0x11080  }
0x185: {  	[tilespmem:s31], [sflag:$0x1] =	stream.indirect_vreg.gather [hbm4b:s6+s3], $0x80, v2, vm0, $0xb8;
	[tilespmem:$0x18080] =	vst v63  }
0x186: {  	_ = 	snop  }
0x187: {  	[tilespmem:s29], [sflag:$0x1] =	stream.indirect_vreg.gather [hbm4b:s7+s3], $0x80, v2, vm0, $0xb8;
	[tilespmem:$0x18080] =	vst v63  }
0x188: {  	s31 =	simm.s32 $0x12080  }
0x189: {  	[tilespmem:s31], [sflag:$0x1] =	stream.indirect_vreg.gather [hbm4b:s8+s3], $0x80, v2, vm0, $0xb8;
	[tilespmem:$0x18080] =	vst v63  }
0x18a: {  	s31 =	simm.s32 $0x12880  }
0x18b: {  	[tilespmem:s31], [sflag:$0x1] =	stream.indirect_vreg.gather [hbm4b:s9+s3], $0x80, v2, vm0, $0xb8;
	[tilespmem:$0x18080] =	vst v63  }
0x18c: {  	s31 =	simm.s32 $0x13080  }
0x18d: {  	[tilespmem:s31], [sflag:$0x1] =	stream.indirect_vreg.gather [hbm4b:s10+s3], $0x80, v2, vm0, $0xb8;
	[tilespmem:$0x18080] =	vst v63  }
0x18e: {  	s31 =	simm.s32 $0x13880  }
0x18f: {  	[tilespmem:s31], [sflag:$0x1] =	stream.indirect_vreg.gather [hbm4b:s11+s3], $0x80, v2, vm0, $0xb8;
	[tilespmem:$0x18080] =	vst v63  }
0x190: {  	s31 =	simm.s32 $0x14080  }
0x191: {  	[tilespmem:s31], [sflag:$0x1] =	stream.indirect_vreg.gather [hbm4b:s12+s3], $0x80, v2, vm0, $0xb8;
	[tilespmem:$0x18080] =	vst v63  }
0x192: {  	s31 =	simm.s32 $0x14880  }
0x193: {  	[tilespmem:s31], [sflag:$0x1] =	stream.indirect_vreg.gather [hbm4b:s13+s3], $0x80, v2, vm0, $0xb8;
	[tilespmem:$0x18080] =	vst v63  }
0x194: {  	s31 =	simm.s32 $0x15080  }
0x195: {  	[tilespmem:s31], [sflag:$0x1] =	stream.indirect_vreg.gather [hbm4b:s14+s3], $0x80, v2, vm0, $0xb8;
	[tilespmem:$0x18080] =	vst v63  }
0x196: {  	s31 =	simm.s32 $0x15880  }
0x197: {  	[tilespmem:s31], [sflag:$0x1] =	stream.indirect_vreg.gather [hbm4b:s15+s3], $0x80, v2, vm0, $0xb8;
	[tilespmem:$0x18080] =	vst v63  }
0x198: {  	s31 =	simm.s32 $0x16080  }
0x199: {  	[tilespmem:s31], [sflag:$0x1] =	stream.indirect_vreg.gather [hbm4b:s16+s3], $0x80, v2, vm0, $0xb8;
	[tilespmem:$0x18080] =	vst v63  }
0x19a: {  	s31 =	simm.s32 $0x16880  }
0x19b: {  	[tilespmem:s31], [sflag:$0x1] =	stream.indirect_vreg.gather [hbm4b:s17+s3], $0x80, v2, vm0, $0xb8;
	[tilespmem:$0x18080] =	vst v63  }
0x19c: {  	s31 =	simm.s32 $0x17080  }
0x19d: {  	[tilespmem:s31], [sflag:$0x1] =	stream.indirect_vreg.gather [hbm4b:s18+s3], $0x80, v2, vm0, $0xb8;
	[tilespmem:$0x18080] =	vst v63  }
0x19e: {  	s31 =	simm.s32 $0x17880  }
0x19f: {  	[tilespmem:s31], [sflag:$0x1] =	stream.indirect_vreg.gather [hbm4b:s19+s3], $0x80, v2, vm0, $0xb8;
	[tilespmem:$0x18080] =	vst v63  }
0x1a0: {  	_ =	swait.ge [sflag:s28], $0x8000  }
0x1a1: {  	[sflag:s28] =	ssyncset.done $0x0  }
0x1a2: {  	s0 =	simm.s32 $0x8080;
	s31 =	rddreg [dreg:$0xb];
	[sflag:s28] =	ssyncadd.s32 $0xFFFF8000  }
0x1a3: {  	[hbm4b:s31+s3] =	stream.linear.scatter [tilespmem:s0], [sflag:$0x2], $0x8000, $0x38;
	[tilespmem:$0x18080] =	vst v63  }
0x1a4: {  	_ =	swait.ge [sflag:s30], $0x8000  }
0x1a5: {  	[sflag:s30] =	ssyncset.done $0x0  }
0x1a6: {  	[sflag:s30] =	ssyncadd.s32 $0xFFFF8000  }
0x1a7: {  	v2 =	vld.msk [tilespmem:$0x48], $0xff;
	_ =	sdelay $0x4  }
0x1a8: {  	v3 =	vshll.u32 v2, $0x5  }
0x1a9: {  	v2 =	vand.u32 $0x7, v2;
	v3 =	vand.u32 $0xFFFFFF00, v3  }
0x1aa: {  	v2 =	vor.u32 v2, v3  }
0x1ab: {  	v2 =	vperm.xlane v2, v0;
	_ =	sdelay $0x1  }
0x1ac: {  	v2 =	vadd.s32 v1, v2;
	_ =	sdelay $0x4  }
0x1ad: {  	[tilespmem:s20], [sflag:$0x1] =	stream.indirect_vreg.gather [hbm4b:s4+s3], $0x80, v2, vm0, $0xb8;
	[tilespmem:$0x18080] =	vst v63  }
0x1ae: {  	s31 =	simm.s32 $0x880  }
0x1af: {  	[tilespmem:s31], [sflag:$0x1] =	stream.indirect_vreg.gather [hbm4b:s5+s3], $0x80, v2, vm0, $0xb8;
	[tilespmem:$0x18080] =	vst v63  }
0x1b0: {  	_ = 	snop  }
0x1b1: {  	[tilespmem:s21], [sflag:$0x1] =	stream.indirect_vreg.gather [hbm4b:s6+s3], $0x80, v2, vm0, $0xb8;
	[tilespmem:$0x18080] =	vst v63  }
0x1b2: {  	s31 =	simm.s32 $0x1880  }
0x1b3: {  	[tilespmem:s31], [sflag:$0x1] =	stream.indirect_vreg.gather [hbm4b:s7+s3], $0x80, v2, vm0, $0xb8;
	[tilespmem:$0x18080] =	vst v63  }
0x1b4: {  	s31 =	simm.s32 $0x2080  }
0x1b5: {  	[tilespmem:s31], [sflag:$0x1] =	stream.indirect_vreg.gather [hbm4b:s8+s3], $0x80, v2, vm0, $0xb8;
	[tilespmem:$0x18080] =	vst v63  }
0x1b6: {  	s31 =	simm.s32 $0x2880  }
0x1b7: {  	[tilespmem:s31], [sflag:$0x1] =	stream.indirect_vreg.gather [hbm4b:s9+s3], $0x80, v2, vm0, $0xb8;
	[tilespmem:$0x18080] =	vst v63  }
0x1b8: {  	s31 =	simm.s32 $0x3080  }
0x1b9: {  	[tilespmem:s31], [sflag:$0x1] =	stream.indirect_vreg.gather [hbm4b:s10+s3], $0x80, v2, vm0, $0xb8;
	[tilespmem:$0x18080] =	vst v63  }
0x1ba: {  	s31 =	simm.s32 $0x3880  }
0x1bb: {  	[tilespmem:s31], [sflag:$0x1] =	stream.indirect_vreg.gather [hbm4b:s11+s3], $0x80, v2, vm0, $0xb8;
	[tilespmem:$0x18080] =	vst v63  }
0x1bc: {  	s31 =	simm.s32 $0x4080  }
0x1bd: {  	[tilespmem:s31], [sflag:$0x1] =	stream.indirect_vreg.gather [hbm4b:s12+s3], $0x80, v2, vm0, $0xb8;
	[tilespmem:$0x18080] =	vst v63  }
0x1be: {  	s31 =	simm.s32 $0x4880  }
0x1bf: {  	[tilespmem:s31], [sflag:$0x1] =	stream.indirect_vreg.gather [hbm4b:s13+s3], $0x80, v2, vm0, $0xb8;
	[tilespmem:$0x18080] =	vst v63  }
0x1c0: {  	s31 =	simm.s32 $0x5080  }
0x1c1: {  	[tilespmem:s31], [sflag:$0x1] =	stream.indirect_vreg.gather [hbm4b:s14+s3], $0x80, v2, vm0, $0xb8;
	[tilespmem:$0x18080] =	vst v63  }
0x1c2: {  	s31 =	simm.s32 $0x5880  }
0x1c3: {  	[tilespmem:s31], [sflag:$0x1] =	stream.indirect_vreg.gather [hbm4b:s15+s3], $0x80, v2, vm0, $0xb8;
	[tilespmem:$0x18080] =	vst v63  }
0x1c4: {  	s31 =	simm.s32 $0x6080  }
0x1c5: {  	[tilespmem:s31], [sflag:$0x1] =	stream.indirect_vreg.gather [hbm4b:s16+s3], $0x80, v2, vm0, $0xb8;
	[tilespmem:$0x18080] =	vst v63  }
0x1c6: {  	s31 =	simm.s32 $0x6880  }
0x1c7: {  	[tilespmem:s31], [sflag:$0x1] =	stream.indirect_vreg.gather [hbm4b:s17+s3], $0x80, v2, vm0, $0xb8;
	[tilespmem:$0x18080] =	vst v63  }
0x1c8: {  	s31 =	simm.s32 $0x7080  }
0x1c9: {  	[tilespmem:s31], [sflag:$0x1] =	stream.indirect_vreg.gather [hbm4b:s18+s3], $0x80, v2, vm0, $0xb8;
	[tilespmem:$0x18080] =	vst v63  }
0x1ca: {  	_ = 	snop  }
0x1cb: {  	[tilespmem:s22], [sflag:$0x1] =	stream.indirect_vreg.gather [hbm4b:s19+s3], $0x80, v2, vm0, $0xb8;
	[tilespmem:$0x18080] =	vst v63  }
0x1cc: {  	_ =	swait.ge [sflag:s28], $0x8000  }
0x1cd: {  	[sflag:s28] =	ssyncset.done $0x0  }
0x1ce: {  	s22 =	rddreg [dreg:$0xc];
	[sflag:s28] =	ssyncadd.s32 $0xFFFF8000  }
0x1cf: {  	[hbm4b:s22+s3] =	stream.linear.scatter [tilespmem:s23], [sflag:$0x2], $0x8000, $0x38;
	[tilespmem:$0x18080] =	vst v63  }
0x1d0: {  	_ =	swait.ge [sflag:s30], $0x8000  }
0x1d1: {  	[sflag:s30] =	ssyncset.done $0x0  }
0x1d2: {  	[sflag:s30] =	ssyncadd.s32 $0xFFFF8000  }
0x1d3: {  	v2 =	vld.msk [tilespmem:$0x50], $0xff;
	_ =	sdelay $0x4  }
0x1d4: {  	v3 =	vshll.u32 v2, $0x5  }
0x1d5: {  	v2 =	vand.u32 $0x7, v2;
	v3 =	vand.u32 $0xFFFFFF00, v3  }
0x1d6: {  	v2 =	vor.u32 v2, v3  }
0x1d7: {  	v2 =	vperm.xlane v2, v0;
	_ =	sdelay $0x1  }
0x1d8: {  	v2 =	vadd.s32 v1, v2;
	_ =	sdelay $0x4  }
0x1d9: {  	[tilespmem:s0], [sflag:$0x1] =	stream.indirect_vreg.gather [hbm4b:s4+s3], $0x80, v2, vm0, $0xb8;
	[tilespmem:$0x18080] =	vst v63  }
0x1da: {  	_ = 	snop  }
0x1db: {  	[tilespmem:s1], [sflag:$0x1] =	stream.indirect_vreg.gather [hbm4b:s5+s3], $0x80, v2, vm0, $0xb8;
	[tilespmem:$0x18080] =	vst v63  }
0x1dc: {  	s24 =	simm.s32 $0x9080  }
0x1dd: {  	[tilespmem:s24], [sflag:$0x1] =	stream.indirect_vreg.gather [hbm4b:s6+s3], $0x80, v2, vm0, $0xb8;
	[tilespmem:$0x18080] =	vst v63  }
0x1de: {  	s25 =	simm.s32 $0x9880  }
0x1df: {  	[tilespmem:s25], [sflag:$0x1] =	stream.indirect_vreg.gather [hbm4b:s7+s3], $0x80, v2, vm0, $0xb8;
	[tilespmem:$0x18080] =	vst v63  }
0x1e0: {  	s26 =	simm.s32 $0xA080  }
0x1e1: {  	[tilespmem:s26], [sflag:$0x1] =	stream.indirect_vreg.gather [hbm4b:s8+s3], $0x80, v2, vm0, $0xb8;
	[tilespmem:$0x18080] =	vst v63  }
0x1e2: {  	s31 =	simm.s32 $0xA880  }
0x1e3: {  	[tilespmem:s31], [sflag:$0x1] =	stream.indirect_vreg.gather [hbm4b:s9+s3], $0x80, v2, vm0, $0xb8;
	[tilespmem:$0x18080] =	vst v63  }
0x1e4: {  	s1 =	simm.s32 $0xB080  }
0x1e5: {  	[tilespmem:s1], [sflag:$0x1] =	stream.indirect_vreg.gather [hbm4b:s10+s3], $0x80, v2, vm0, $0xb8;
	[tilespmem:$0x18080] =	vst v63  }
0x1e6: {  	s21 =	simm.s32 $0xB880  }
0x1e7: {  	[tilespmem:s21], [sflag:$0x1] =	stream.indirect_vreg.gather [hbm4b:s11+s3], $0x80, v2, vm0, $0xb8;
	[tilespmem:$0x18080] =	vst v63  }
0x1e8: {  	s22 =	simm.s32 $0xC080  }
0x1e9: {  	[tilespmem:s22], [sflag:$0x1] =	stream.indirect_vreg.gather [hbm4b:s12+s3], $0x80, v2, vm0, $0xb8;
	[tilespmem:$0x18080] =	vst v63  }
0x1ea: {  	s24 =	simm.s32 $0xC880  }
0x1eb: {  	[tilespmem:s24], [sflag:$0x1] =	stream.indirect_vreg.gather [hbm4b:s13+s3], $0x80, v2, vm0, $0xb8;
	[tilespmem:$0x18080] =	vst v63  }
0x1ec: {  	s25 =	simm.s32 $0xD080  }
0x1ed: {  	[tilespmem:s25], [sflag:$0x1] =	stream.indirect_vreg.gather [hbm4b:s14+s3], $0x80, v2, vm0, $0xb8;
	[tilespmem:$0x18080] =	vst v63  }
0x1ee: {  	s26 =	simm.s32 $0xD880  }
0x1ef: {  	[tilespmem:s26], [sflag:$0x1] =	stream.indirect_vreg.gather [hbm4b:s15+s3], $0x80, v2, vm0, $0xb8;
	[tilespmem:$0x18080] =	vst v63  }
0x1f0: {  	s31 =	simm.s32 $0xE080  }
0x1f1: {  	[tilespmem:s31], [sflag:$0x1] =	stream.indirect_vreg.gather [hbm4b:s16+s3], $0x80, v2, vm0, $0xb8;
	[tilespmem:$0x18080] =	vst v63  }
0x1f2: {  	s1 =	simm.s32 $0xE880  }
0x1f3: {  	[tilespmem:s1], [sflag:$0x1] =	stream.indirect_vreg.gather [hbm4b:s17+s3], $0x80, v2, vm0, $0xb8;
	[tilespmem:$0x18080] =	vst v63  }
0x1f4: {  	s21 =	simm.s32 $0xF080  }
0x1f5: {  	[tilespmem:s21], [sflag:$0x1] =	stream.indirect_vreg.gather [hbm4b:s18+s3], $0x80, v2, vm0, $0xb8;
	[tilespmem:$0x18080] =	vst v63  }
0x1f6: {  	s22 =	simm.s32 $0xF880  }
0x1f7: {  	[tilespmem:s22], [sflag:$0x1] =	stream.indirect_vreg.gather [hbm4b:s19+s3], $0x80, v2, vm0, $0xb8;
	[tilespmem:$0x18080] =	vst v63  }
0x1f8: {  	_ =	swait.ge [sflag:s28], $0x8000  }
0x1f9: {  	[sflag:s28] =	ssyncset.done $0x0  }
0x1fa: {  	s24 =	rddreg [dreg:$0xd];
	[sflag:s28] =	ssyncadd.s32 $0xFFFF8000  }
0x1fb: {  	[hbm4b:s24+s3] =	stream.linear.scatter [tilespmem:s20], [sflag:$0x2], $0x8000, $0x38;
	[tilespmem:$0x18080] =	vst v63  }
0x1fc: {  	_ =	swait.ge [sflag:s30], $0x8000  }
0x1fd: {  	[sflag:s30] =	ssyncset.done $0x0  }
0x1fe: {  	[sflag:s30] =	ssyncadd.s32 $0xFFFF8000  }
0x1ff: {  	v2 =	vld.msk [tilespmem:$0x58], $0xff;
	_ =	sdelay $0x4  }
0x200: {  	v3 =	vshll.u32 v2, $0x5  }
0x201: {  	v2 =	vand.u32 $0x7, v2;
	v3 =	vand.u32 $0xFFFFFF00, v3  }
0x202: {  	v2 =	vor.u32 v2, v3  }
0x203: {  	v2 =	vperm.xlane v2, v0;
	_ =	sdelay $0x1  }
0x204: {  	v2 =	vadd.s32 v1, v2;
	_ =	sdelay $0x4  }
0x205: {  	[tilespmem:s23], [sflag:$0x1] =	stream.indirect_vreg.gather [hbm4b:s4+s3], $0x80, v2, vm0, $0xb8;
	[tilespmem:$0x18080] =	vst v63  }
0x206: {  	s2 =	simm.s32 $0x10880  }
0x207: {  	[tilespmem:s2], [sflag:$0x1] =	stream.indirect_vreg.gather [hbm4b:s5+s3], $0x80, v2, vm0, $0xb8;
	[tilespmem:$0x18080] =	vst v63  }
0x208: {  	s25 =	simm.s32 $0x11080  }
0x209: {  	[tilespmem:s25], [sflag:$0x1] =	stream.indirect_vreg.gather [hbm4b:s6+s3], $0x80, v2, vm0, $0xb8;
	[tilespmem:$0x18080] =	vst v63  }
0x20a: {  	s29 =	simm.s32 $0x11880  }
0x20b: {  	[tilespmem:s29], [sflag:$0x1] =	stream.indirect_vreg.gather [hbm4b:s7+s3], $0x80, v2, vm0, $0xb8;
	[tilespmem:$0x18080] =	vst v63  }
0x20c: {  	s26 =	simm.s32 $0x12080  }
0x20d: {  	[tilespmem:s26], [sflag:$0x1] =	stream.indirect_vreg.gather [hbm4b:s8+s3], $0x80, v2, vm0, $0xb8;
	[tilespmem:$0x18080] =	vst v63  }
0x20e: {  	s2 =	simm.s32 $0x12880  }
0x20f: {  	[tilespmem:s2], [sflag:$0x1] =	stream.indirect_vreg.gather [hbm4b:s9+s3], $0x80, v2, vm0, $0xb8;
	[tilespmem:$0x18080] =	vst v63  }
0x210: {  	s26 =	simm.s32 $0x13080  }
0x211: {  	[tilespmem:s26], [sflag:$0x1] =	stream.indirect_vreg.gather [hbm4b:s10+s3], $0x80, v2, vm0, $0xb8;
	[tilespmem:$0x18080] =	vst v63  }
0x212: {  	s29 =	simm.s32 $0x13880  }
0x213: {  	[tilespmem:s29], [sflag:$0x1] =	stream.indirect_vreg.gather [hbm4b:s11+s3], $0x80, v2, vm0, $0xb8;
	[tilespmem:$0x18080] =	vst v63  }
0x214: {  	s21 =	simm.s32 $0x14080  }
0x215: {  	[tilespmem:s21], [sflag:$0x1] =	stream.indirect_vreg.gather [hbm4b:s12+s3], $0x80, v2, vm0, $0xb8;
	[tilespmem:$0x18080] =	vst v63  }
0x216: {  	s22 =	simm.s32 $0x14880  }
0x217: {  	[tilespmem:s22], [sflag:$0x1] =	stream.indirect_vreg.gather [hbm4b:s13+s3], $0x80, v2, vm0, $0xb8;
	[tilespmem:$0x18080] =	vst v63  }
0x218: {  	s23 =	simm.s32 $0x15080  }
0x219: {  	[tilespmem:s23], [sflag:$0x1] =	stream.indirect_vreg.gather [hbm4b:s14+s3], $0x80, v2, vm0, $0xb8;
	[tilespmem:$0x18080] =	vst v63  }
0x21a: {  	s24 =	simm.s32 $0x15880  }
0x21b: {  	[tilespmem:s24], [sflag:$0x1] =	stream.indirect_vreg.gather [hbm4b:s15+s3], $0x80, v2, vm0, $0xb8;
	[tilespmem:$0x18080] =	vst v63  }
0x21c: {  	s25 =	simm.s32 $0x16080  }
0x21d: {  	[tilespmem:s25], [sflag:$0x1] =	stream.indirect_vreg.gather [hbm4b:s16+s3], $0x80, v2, vm0, $0xb8;
	[tilespmem:$0x18080] =	vst v63  }
0x21e: {  	s31 =	simm.s32 $0x16880  }
0x21f: {  	[tilespmem:s31], [sflag:$0x1] =	stream.indirect_vreg.gather [hbm4b:s17+s3], $0x80, v2, vm0, $0xb8;
	[tilespmem:$0x18080] =	vst v63  }
0x220: {  	s1 =	simm.s32 $0x17080  }
0x221: {  	[tilespmem:s1], [sflag:$0x1] =	stream.indirect_vreg.gather [hbm4b:s18+s3], $0x80, v2, vm0, $0xb8;
	[tilespmem:$0x18080] =	vst v63  }
0x222: {  	s31 =	simm.s32 $0x17880  }
0x223: {  	[tilespmem:s31], [sflag:$0x1] =	stream.indirect_vreg.gather [hbm4b:s19+s3], $0x80, v2, vm0, $0xb8;
	[tilespmem:$0x18080] =	vst v63  }
0x224: {  	_ =	swait.ge [sflag:s28], $0x8000  }
0x225: {  	[sflag:s28] =	ssyncset.done $0x0  }
0x226: {  	s0 =	simm.s32 $0x8080;
	s1 =	rddreg [dreg:$0xe];
	[sflag:s28] =	ssyncadd.s32 $0xFFFF8000  }
0x227: {  	[hbm4b:s1+s3] =	stream.linear.scatter [tilespmem:s0], [sflag:$0x2], $0x8000, $0x38;
	[tilespmem:$0x18080] =	vst v63  }
0x228: {  	_ =	swait.ge [sflag:s30], $0x8000  }
0x229: {  	[sflag:s30] =	ssyncset.done $0x0  }
0x22a: {  	[sflag:s30] =	ssyncadd.s32 $0xFFFF8000  }
0x22b: {  	v2 =	vld.msk [tilespmem:$0x60], $0xff;
	_ =	sdelay $0x4  }
0x22c: {  	v3 =	vshll.u32 v2, $0x5  }
0x22d: {  	v2 =	vand.u32 $0x7, v2;
	v3 =	vand.u32 $0xFFFFFF00, v3  }
0x22e: {  	v2 =	vor.u32 v2, v3  }
0x22f: {  	v2 =	vperm.xlane v2, v0;
	_ =	sdelay $0x1  }
0x230: {  	v2 =	vadd.s32 v1, v2;
	_ =	sdelay $0x4  }
0x231: {  	[tilespmem:s20], [sflag:$0x1] =	stream.indirect_vreg.gather [hbm4b:s4+s3], $0x80, v2, vm0, $0xb8;
	[tilespmem:$0x18080] =	vst v63  }
0x232: {  	s31 =	simm.s32 $0x880  }
0x233: {  	[tilespmem:s31], [sflag:$0x1] =	stream.indirect_vreg.gather [hbm4b:s5+s3], $0x80, v2, vm0, $0xb8;
	[tilespmem:$0x18080] =	vst v63  }
0x234: {  	s31 =	simm.s32 $0x1080  }
0x235: {  	[tilespmem:s31], [sflag:$0x1] =	stream.indirect_vreg.gather [hbm4b:s6+s3], $0x80, v2, vm0, $0xb8;
	[tilespmem:$0x18080] =	vst v63  }
0x236: {  	s31 =	simm.s32 $0x1880  }
0x237: {  	[tilespmem:s31], [sflag:$0x1] =	stream.indirect_vreg.gather [hbm4b:s7+s3], $0x80, v2, vm0, $0xb8;
	[tilespmem:$0x18080] =	vst v63  }
0x238: {  	s31 =	simm.s32 $0x2080  }
0x239: {  	[tilespmem:s31], [sflag:$0x1] =	stream.indirect_vreg.gather [hbm4b:s8+s3], $0x80, v2, vm0, $0xb8;
	[tilespmem:$0x18080] =	vst v63  }
0x23a: {  	s31 =	simm.s32 $0x2880  }
0x23b: {  	[tilespmem:s31], [sflag:$0x1] =	stream.indirect_vreg.gather [hbm4b:s9+s3], $0x80, v2, vm0, $0xb8;
	[tilespmem:$0x18080] =	vst v63  }
0x23c: {  	s31 =	simm.s32 $0x3080  }
0x23d: {  	[tilespmem:s31], [sflag:$0x1] =	stream.indirect_vreg.gather [hbm4b:s10+s3], $0x80, v2, vm0, $0xb8;
	[tilespmem:$0x18080] =	vst v63  }
0x23e: {  	s31 =	simm.s32 $0x3880  }
0x23f: {  	[tilespmem:s31], [sflag:$0x1] =	stream.indirect_vreg.gather [hbm4b:s11+s3], $0x80, v2, vm0, $0xb8;
	[tilespmem:$0x18080] =	vst v63  }
0x240: {  	s31 =	simm.s32 $0x4080  }
0x241: {  	[tilespmem:s31], [sflag:$0x1] =	stream.indirect_vreg.gather [hbm4b:s12+s3], $0x80, v2, vm0, $0xb8;
	[tilespmem:$0x18080] =	vst v63  }
0x242: {  	s31 =	simm.s32 $0x4880  }
0x243: {  	[tilespmem:s31], [sflag:$0x1] =	stream.indirect_vreg.gather [hbm4b:s13+s3], $0x80, v2, vm0, $0xb8;
	[tilespmem:$0x18080] =	vst v63  }
0x244: {  	s31 =	simm.s32 $0x5080  }
0x245: {  	[tilespmem:s31], [sflag:$0x1] =	stream.indirect_vreg.gather [hbm4b:s14+s3], $0x80, v2, vm0, $0xb8;
	[tilespmem:$0x18080] =	vst v63  }
0x246: {  	s31 =	simm.s32 $0x5880  }
0x247: {  	[tilespmem:s31], [sflag:$0x1] =	stream.indirect_vreg.gather [hbm4b:s15+s3], $0x80, v2, vm0, $0xb8;
	[tilespmem:$0x18080] =	vst v63  }
0x248: {  	s31 =	simm.s32 $0x6080  }
0x249: {  	[tilespmem:s31], [sflag:$0x1] =	stream.indirect_vreg.gather [hbm4b:s16+s3], $0x80, v2, vm0, $0xb8;
	[tilespmem:$0x18080] =	vst v63  }
0x24a: {  	s31 =	simm.s32 $0x6880  }
0x24b: {  	[tilespmem:s31], [sflag:$0x1] =	stream.indirect_vreg.gather [hbm4b:s17+s3], $0x80, v2, vm0, $0xb8;
	[tilespmem:$0x18080] =	vst v63  }
0x24c: {  	s31 =	simm.s32 $0x7080  }
0x24d: {  	[tilespmem:s31], [sflag:$0x1] =	stream.indirect_vreg.gather [hbm4b:s18+s3], $0x80, v2, vm0, $0xb8;
	[tilespmem:$0x18080] =	vst v63  }
0x24e: {  	s31 =	simm.s32 $0x7880  }
0x24f: {  	[tilespmem:s31], [sflag:$0x1] =	stream.indirect_vreg.gather [hbm4b:s19+s3], $0x80, v2, vm0, $0xb8;
	[tilespmem:$0x18080] =	vst v63  }
0x250: {  	_ =	swait.ge [sflag:s28], $0x8000  }
0x251: {  	[sflag:s28] =	ssyncset.done $0x0  }
0x252: {  	s1 =	simm.s32 $0x10080;
	s31 =	rddreg [dreg:$0xf];
	[sflag:s28] =	ssyncadd.s32 $0xFFFF8000  }
0x253: {  	[hbm4b:s31+s3] =	stream.linear.scatter [tilespmem:s1], [sflag:$0x2], $0x8000, $0x38;
	[tilespmem:$0x18080] =	vst v63  }
0x254: {  	_ =	swait.ge [sflag:s30], $0x8000  }
0x255: {  	[sflag:s30] =	ssyncset.done $0x0  }
0x256: {  	[sflag:s30] =	ssyncadd.s32 $0xFFFF8000  }
0x257: {  	v2 =	vld.msk [tilespmem:$0x68], $0xff;
	_ =	sdelay $0x4  }
0x258: {  	v3 =	vshll.u32 v2, $0x5  }
0x259: {  	v2 =	vand.u32 $0x7, v2;
	v3 =	vand.u32 $0xFFFFFF00, v3  }
0x25a: {  	v2 =	vor.u32 v2, v3  }
0x25b: {  	v2 =	vperm.xlane v2, v0;
	_ =	sdelay $0x1  }
0x25c: {  	v2 =	vadd.s32 v1, v2;
	_ =	sdelay $0x4  }
0x25d: {  	[tilespmem:s0], [sflag:$0x1] =	stream.indirect_vreg.gather [hbm4b:s4+s3], $0x80, v2, vm0, $0xb8;
	[tilespmem:$0x18080] =	vst v63  }
0x25e: {  	s31 =	simm.s32 $0x8880  }
0x25f: {  	[tilespmem:s31], [sflag:$0x1] =	stream.indirect_vreg.gather [hbm4b:s5+s3], $0x80, v2, vm0, $0xb8;
	[tilespmem:$0x18080] =	vst v63  }
0x260: {  	s31 =	simm.s32 $0x9080  }
0x261: {  	[tilespmem:s31], [sflag:$0x1] =	stream.indirect_vreg.gather [hbm4b:s6+s3], $0x80, v2, vm0, $0xb8;
	[tilespmem:$0x18080] =	vst v63  }
0x262: {  	s31 =	simm.s32 $0x9880  }
0x263: {  	[tilespmem:s31], [sflag:$0x1] =	stream.indirect_vreg.gather [hbm4b:s7+s3], $0x80, v2, vm0, $0xb8;
	[tilespmem:$0x18080] =	vst v63  }
0x264: {  	s31 =	simm.s32 $0xA080  }
0x265: {  	[tilespmem:s31], [sflag:$0x1] =	stream.indirect_vreg.gather [hbm4b:s8+s3], $0x80, v2, vm0, $0xb8;
	[tilespmem:$0x18080] =	vst v63  }
0x266: {  	s31 =	simm.s32 $0xA880  }
0x267: {  	[tilespmem:s31], [sflag:$0x1] =	stream.indirect_vreg.gather [hbm4b:s9+s3], $0x80, v2, vm0, $0xb8;
	[tilespmem:$0x18080] =	vst v63  }
0x268: {  	s31 =	simm.s32 $0xB080  }
0x269: {  	[tilespmem:s31], [sflag:$0x1] =	stream.indirect_vreg.gather [hbm4b:s10+s3], $0x80, v2, vm0, $0xb8;
	[tilespmem:$0x18080] =	vst v63  }
0x26a: {  	s31 =	simm.s32 $0xB880  }
0x26b: {  	[tilespmem:s31], [sflag:$0x1] =	stream.indirect_vreg.gather [hbm4b:s11+s3], $0x80, v2, vm0, $0xb8;
	[tilespmem:$0x18080] =	vst v63  }
0x26c: {  	s31 =	simm.s32 $0xC080  }
0x26d: {  	[tilespmem:s31], [sflag:$0x1] =	stream.indirect_vreg.gather [hbm4b:s12+s3], $0x80, v2, vm0, $0xb8;
	[tilespmem:$0x18080] =	vst v63  }
0x26e: {  	s31 =	simm.s32 $0xC880  }
0x26f: {  	[tilespmem:s31], [sflag:$0x1] =	stream.indirect_vreg.gather [hbm4b:s13+s3], $0x80, v2, vm0, $0xb8;
	[tilespmem:$0x18080] =	vst v63  }
0x270: {  	s31 =	simm.s32 $0xD080  }
0x271: {  	[tilespmem:s31], [sflag:$0x1] =	stream.indirect_vreg.gather [hbm4b:s14+s3], $0x80, v2, vm0, $0xb8;
	[tilespmem:$0x18080] =	vst v63  }
0x272: {  	s31 =	simm.s32 $0xD880  }
0x273: {  	[tilespmem:s31], [sflag:$0x1] =	stream.indirect_vreg.gather [hbm4b:s15+s3], $0x80, v2, vm0, $0xb8;
	[tilespmem:$0x18080] =	vst v63  }
0x274: {  	s31 =	simm.s32 $0xE080  }
0x275: {  	[tilespmem:s31], [sflag:$0x1] =	stream.indirect_vreg.gather [hbm4b:s16+s3], $0x80, v2, vm0, $0xb8;
	[tilespmem:$0x18080] =	vst v63  }
0x276: {  	s31 =	simm.s32 $0xE880  }
0x277: {  	[tilespmem:s31], [sflag:$0x1] =	stream.indirect_vreg.gather [hbm4b:s17+s3], $0x80, v2, vm0, $0xb8;
	[tilespmem:$0x18080] =	vst v63  }
0x278: {  	s31 =	simm.s32 $0xF080  }
0x279: {  	[tilespmem:s31], [sflag:$0x1] =	stream.indirect_vreg.gather [hbm4b:s18+s3], $0x80, v2, vm0, $0xb8;
	[tilespmem:$0x18080] =	vst v63  }
0x27a: {  	s31 =	simm.s32 $0xF880  }
0x27b: {  	[tilespmem:s31], [sflag:$0x1] =	stream.indirect_vreg.gather [hbm4b:s19+s3], $0x80, v2, vm0, $0xb8;
	[tilespmem:$0x18080] =	vst v63  }
0x27c: {  	_ =	swait.ge [sflag:s28], $0x8000  }
0x27d: {  	[sflag:s28] =	ssyncset.done $0x0  }
0x27e: {  	s31 =	rddreg [dreg:$0x10];
	[sflag:s28] =	ssyncadd.s32 $0xFFFF8000  }
0x27f: {  	[hbm4b:s31+s3] =	stream.linear.scatter [tilespmem:s20], [sflag:$0x2], $0x8000, $0x38;
	[tilespmem:$0x18080] =	vst v63  }
0x280: {  	_ =	swait.ge [sflag:s30], $0x8000  }
0x281: {  	[sflag:s30] =	ssyncset.done $0x0  }
0x282: {  	[sflag:s30] =	ssyncadd.s32 $0xFFFF8000  }
0x283: {  	v2 =	vld.msk [tilespmem:$0x70], $0xff;
	_ =	sdelay $0x4  }
0x284: {  	v3 =	vshll.u32 v2, $0x5  }
0x285: {  	v2 =	vand.u32 $0x7, v2;
	v3 =	vand.u32 $0xFFFFFF00, v3  }
0x286: {  	v2 =	vor.u32 v2, v3  }
0x287: {  	v2 =	vperm.xlane v2, v0;
	_ =	sdelay $0x1  }
0x288: {  	v2 =	vadd.s32 v1, v2;
	_ =	sdelay $0x4  }
0x289: {  	[tilespmem:s1], [sflag:$0x1] =	stream.indirect_vreg.gather [hbm4b:s4+s3], $0x80, v2, vm0, $0xb8;
	[tilespmem:$0x18080] =	vst v63  }
0x28a: {  	s31 =	simm.s32 $0x10880  }
0x28b: {  	[tilespmem:s31], [sflag:$0x1] =	stream.indirect_vreg.gather [hbm4b:s5+s3], $0x80, v2, vm0, $0xb8;
	[tilespmem:$0x18080] =	vst v63  }
0x28c: {  	s31 =	simm.s32 $0x11080  }
0x28d: {  	[tilespmem:s31], [sflag:$0x1] =	stream.indirect_vreg.gather [hbm4b:s6+s3], $0x80, v2, vm0, $0xb8;
	[tilespmem:$0x18080] =	vst v63  }
0x28e: {  	s31 =	simm.s32 $0x11880  }
0x28f: {  	[tilespmem:s31], [sflag:$0x1] =	stream.indirect_vreg.gather [hbm4b:s7+s3], $0x80, v2, vm0, $0xb8;
	[tilespmem:$0x18080] =	vst v63  }
0x290: {  	s31 =	simm.s32 $0x12080  }
0x291: {  	[tilespmem:s31], [sflag:$0x1] =	stream.indirect_vreg.gather [hbm4b:s8+s3], $0x80, v2, vm0, $0xb8;
	[tilespmem:$0x18080] =	vst v63  }
0x292: {  	_ = 	snop  }
0x293: {  	[tilespmem:s2], [sflag:$0x1] =	stream.indirect_vreg.gather [hbm4b:s9+s3], $0x80, v2, vm0, $0xb8;
	[tilespmem:$0x18080] =	vst v63  }
0x294: {  	_ = 	snop  }
0x295: {  	[tilespmem:s26], [sflag:$0x1] =	stream.indirect_vreg.gather [hbm4b:s10+s3], $0x80, v2, vm0, $0xb8;
	[tilespmem:$0x18080] =	vst v63  }
0x296: {  	_ = 	snop  }
0x297: {  	[tilespmem:s29], [sflag:$0x1] =	stream.indirect_vreg.gather [hbm4b:s11+s3], $0x80, v2, vm0, $0xb8;
	[tilespmem:$0x18080] =	vst v63  }
0x298: {  	_ = 	snop  }
0x299: {  	[tilespmem:s21], [sflag:$0x1] =	stream.indirect_vreg.gather [hbm4b:s12+s3], $0x80, v2, vm0, $0xb8;
	[tilespmem:$0x18080] =	vst v63  }
0x29a: {  	_ = 	snop  }
0x29b: {  	[tilespmem:s22], [sflag:$0x1] =	stream.indirect_vreg.gather [hbm4b:s13+s3], $0x80, v2, vm0, $0xb8;
	[tilespmem:$0x18080] =	vst v63  }
0x29c: {  	_ = 	snop  }
0x29d: {  	[tilespmem:s23], [sflag:$0x1] =	stream.indirect_vreg.gather [hbm4b:s14+s3], $0x80, v2, vm0, $0xb8;
	[tilespmem:$0x18080] =	vst v63  }
0x29e: {  	_ = 	snop  }
0x29f: {  	[tilespmem:s24], [sflag:$0x1] =	stream.indirect_vreg.gather [hbm4b:s15+s3], $0x80, v2, vm0, $0xb8;
	[tilespmem:$0x18080] =	vst v63  }
0x2a0: {  	_ = 	snop  }
0x2a1: {  	[tilespmem:s25], [sflag:$0x1] =	stream.indirect_vreg.gather [hbm4b:s16+s3], $0x80, v2, vm0, $0xb8;
	[tilespmem:$0x18080] =	vst v63  }
0x2a2: {  	s26 =	simm.s32 $0x16880  }
0x2a3: {  	[tilespmem:s26], [sflag:$0x1] =	stream.indirect_vreg.gather [hbm4b:s17+s3], $0x80, v2, vm0, $0xb8;
	[tilespmem:$0x18080] =	vst v63  }
0x2a4: {  	s29 =	simm.s32 $0x17080  }
0x2a5: {  	[tilespmem:s29], [sflag:$0x1] =	stream.indirect_vreg.gather [hbm4b:s18+s3], $0x80, v2, vm0, $0xb8;
	[tilespmem:$0x18080] =	vst v63  }
0x2a6: {  	s31 =	simm.s32 $0x17880  }
0x2a7: {  	[tilespmem:s31], [sflag:$0x1] =	stream.indirect_vreg.gather [hbm4b:s19+s3], $0x80, v2, vm0, $0xb8;
	[tilespmem:$0x18080] =	vst v63  }
0x2a8: {  	_ =	swait.ge [sflag:s28], $0x8000  }
0x2a9: {  	[sflag:s28] =	ssyncset.done $0x0  }
0x2aa: {  	s0 =	simm.s32 $0x8080;
	s2 =	rddreg [dreg:$0x11];
	[sflag:s28] =	ssyncadd.s32 $0xFFFF8000  }
0x2ab: {  	[hbm4b:s2+s3] =	stream.linear.scatter [tilespmem:s0], [sflag:$0x2], $0x8000, $0x38;
	[tilespmem:$0x18080] =	vst v63  }
0x2ac: {  	_ =	swait.ge [sflag:s30], $0x8000  }
0x2ad: {  	[sflag:s30] =	ssyncset.done $0x0  }
0x2ae: {  	[sflag:s30] =	ssyncadd.s32 $0xFFFF8000  }
0x2af: {  	v2 =	vld.msk [tilespmem:$0x78], $0xff;
	_ =	sdelay $0x4  }
0x2b0: {  	v3 =	vshll.u32 v2, $0x5  }
0x2b1: {  	v2 =	vand.u32 $0x7, v2;
	v3 =	vand.u32 $0xFFFFFF00, v3  }
0x2b2: {  	v2 =	vor.u32 v2, v3  }
0x2b3: {  	v2 =	vperm.xlane v2, v0;
	_ =	sdelay $0x1  }
0x2b4: {  	v2 =	vadd.s32 v1, v2;
	_ =	sdelay $0x4  }
0x2b5: {  	[tilespmem:s20], [sflag:$0x1] =	stream.indirect_vreg.gather [hbm4b:s4+s3], $0x80, v2, vm0, $0xb8;
	[tilespmem:$0x18080] =	vst v63  }
0x2b6: {  	s4 =	simm.s32 $0x880  }
0x2b7: {  	[tilespmem:s4], [sflag:$0x1] =	stream.indirect_vreg.gather [hbm4b:s5+s3], $0x80, v2, vm0, $0xb8;
	[tilespmem:$0x18080] =	vst v63  }
0x2b8: {  	s21 =	simm.s32 $0x1080  }
0x2b9: {  	[tilespmem:s21], [sflag:$0x1] =	stream.indirect_vreg.gather [hbm4b:s6+s3], $0x80, v2, vm0, $0xb8;
	[tilespmem:$0x18080] =	vst v63  }
0x2ba: {  	s22 =	simm.s32 $0x1880  }
0x2bb: {  	[tilespmem:s22], [sflag:$0x1] =	stream.indirect_vreg.gather [hbm4b:s7+s3], $0x80, v2, vm0, $0xb8;
	[tilespmem:$0x18080] =	vst v63  }
0x2bc: {  	s23 =	simm.s32 $0x2080  }
0x2bd: {  	[tilespmem:s23], [sflag:$0x1] =	stream.indirect_vreg.gather [hbm4b:s8+s3], $0x80, v2, vm0, $0xb8;
	[tilespmem:$0x18080] =	vst v63  }
0x2be: {  	s24 =	simm.s32 $0x2880  }
0x2bf: {  	[tilespmem:s24], [sflag:$0x1] =	stream.indirect_vreg.gather [hbm4b:s9+s3], $0x80, v2, vm0, $0xb8;
	[tilespmem:$0x18080] =	vst v63  }
0x2c0: {  	s25 =	simm.s32 $0x3080  }
0x2c1: {  	[tilespmem:s25], [sflag:$0x1] =	stream.indirect_vreg.gather [hbm4b:s10+s3], $0x80, v2, vm0, $0xb8;
	[tilespmem:$0x18080] =	vst v63  }
0x2c2: {  	s26 =	simm.s32 $0x3880  }
0x2c3: {  	[tilespmem:s26], [sflag:$0x1] =	stream.indirect_vreg.gather [hbm4b:s11+s3], $0x80, v2, vm0, $0xb8;
	[tilespmem:$0x18080] =	vst v63  }
0x2c4: {  	s29 =	simm.s32 $0x4080  }
0x2c5: {  	[tilespmem:s29], [sflag:$0x1] =	stream.indirect_vreg.gather [hbm4b:s12+s3], $0x80, v2, vm0, $0xb8;
	[tilespmem:$0x18080] =	vst v63  }
0x2c6: {  	s31 =	simm.s32 $0x4880  }
0x2c7: {  	[tilespmem:s31], [sflag:$0x1] =	stream.indirect_vreg.gather [hbm4b:s13+s3], $0x80, v2, vm0, $0xb8;
	[tilespmem:$0x18080] =	vst v63  }
0x2c8: {  	s4 =	simm.s32 $0x5080  }
0x2c9: {  	[tilespmem:s4], [sflag:$0x1] =	stream.indirect_vreg.gather [hbm4b:s14+s3], $0x80, v2, vm0, $0xb8;
	[tilespmem:$0x18080] =	vst v63  }
0x2ca: {  	s21 =	simm.s32 $0x5880  }
0x2cb: {  	[tilespmem:s21], [sflag:$0x1] =	stream.indirect_vreg.gather [hbm4b:s15+s3], $0x80, v2, vm0, $0xb8;
	[tilespmem:$0x18080] =	vst v63  }
0x2cc: {  	s22 =	simm.s32 $0x6080  }
0x2cd: {  	[tilespmem:s22], [sflag:$0x1] =	stream.indirect_vreg.gather [hbm4b:s16+s3], $0x80, v2, vm0, $0xb8;
	[tilespmem:$0x18080] =	vst v63  }
0x2ce: {  	s23 =	simm.s32 $0x6880  }
0x2cf: {  	[tilespmem:s23], [sflag:$0x1] =	stream.indirect_vreg.gather [hbm4b:s17+s3], $0x80, v2, vm0, $0xb8;
	[tilespmem:$0x18080] =	vst v63  }
0x2d0: {  	s24 =	simm.s32 $0x7080  }
0x2d1: {  	[tilespmem:s24], [sflag:$0x1] =	stream.indirect_vreg.gather [hbm4b:s18+s3], $0x80, v2, vm0, $0xb8;
	[tilespmem:$0x18080] =	vst v63  }
0x2d2: {  	s25 =	simm.s32 $0x7880  }
0x2d3: {  	[tilespmem:s25], [sflag:$0x1] =	stream.indirect_vreg.gather [hbm4b:s19+s3], $0x80, v2, vm0, $0xb8;
	[tilespmem:$0x18080] =	vst v63  }
0x2d4: {  	s0 =	rddreg [dreg:$0x15];
	_ =	swait.ge [sflag:s28], $0x8000  }
0x2d5: {  	[sflag:s28] =	ssyncset.done $0x0  }
0x2d6: {  	s1 =	simm.s32 $0x10080;
	s26 =	rddreg [dreg:$0x12];
	[sflag:s28] =	ssyncadd.s32 $0xFFFF8000  }
0x2d7: {  	[hbm4b:s26+s3] =	stream.linear.scatter [tilespmem:s1], [sflag:$0x2], $0x8000, $0x38;
	[tilespmem:$0x18080] =	vst v63  }
0x2d8: {  	_ =	swait.ge [sflag:s28], $0x8000  }
0x2d9: {  	[sflag:s28] =	ssyncset.done $0x0  }
0x2da: {  	s29 =	rddreg [dreg:$0x13];
	[sflag:s28] =	ssyncadd.s32 $0xFFFF8000  }
0x2db: {  	[hbm4b:s29+s3] =	stream.linear.scatter [tilespmem:s20], [sflag:$0x2], $0x8000, $0x38;
	[tilespmem:$0x18080] =	vst v63  }
0x2dc: {  	_ =	swait.ge [sflag:s30], $0x8000  }
0x2dd: {  	[sflag:s30] =	ssyncset.done $0x0  }
0x2de: {  	[sflag:s30] =	ssyncadd.s32 $0xFFFF8000  }
0x2df: {  	p0 =	sne.s32 s0, $0x1;
	_ =	swait.ge [sflag:s30], $0x8000  }
.Ltmp0:
0x2e0: {  	[sflag:s30] =	ssyncset.done $0x0;
	(pc) =	sbr.rel @p0 .LBB2_1-.Ltmp0, $4  }
0x2e1: {  	[sflag:s30] =	ssyncadd.s32 $0xFFFF8000  }
0x2e2: {  	_ =	swait.ge [sflag:s30], $0x8000  }
0x2e3: {  	[sflag:s30] =	ssyncset.done $0x0  }
0x2e4: {  	s0 =	sadd.s32 $0xFFFFFFFF, s0;
	[sflag:s30] =	ssyncadd.s32 $0xFFFF8000  }
0x2e5: {  	_ =	sfence.sel $0x180000  }
0x2e6: {  	[bflag:$0x0] =	sbarrier.arrive $0xFFFF  }
0x2e7: {  	_ =	strace $0x90000047  }
0x2e8: {  	s0 =	stileid.u32;
	[bflag:$0x2] =	sbarrier.arrive $0xFFFF  }
0x2e9: {  	p0 =	sne.s32 s0, $0x0;
	s0 =	rddreg [dreg:$0x3]  }
0x2ea: {  	s0 =	sadd.s32 @!p0 $0x100000, s0  }
0x2eb: {  	[sflag:s0] =	ssyncadd.tile.s32 @!p0 $0x1;
	_ =	shalt  }
.Lfunc_end2:
_tile_overlayer_lowered:
.L_overlay_start_2:
0x2ec: {  	(tag) =	ssettag $0x2  }
0x2ed: {  	s0 =	rddreg [dreg:$0x0];
	s2 =	stileid.u32  }
0x2ee: {  	s1 =	rddreg [dreg:$0x1];
	p0 =	sne.s32 s2, $0x0  }
0x2ef: {  	s3 =	rddreg [dreg:$0x2];
	[bflag:$0x3] =	sbarrier.arrive $0xFFFF;
	s2 =	simm.s32 @!p0 $0x1C03  }
0x2f0: {  	[timem:s3], [sflag:s2] =	dma.local @!p0 [hbm:s0], s1  }
0x2f1: {  	s0 =	simm.s32 @!p0 $0x3  }
0x2f2: {  	_ =	swait.ge @!p0 [sflag:s0], s1  }
0x2f3: {  	s1 =	ssub.s32 @!p0 $0x0, s1;
	[sflag:s0] =	ssyncset.done @!p0 $0x0  }
0x2f4: {  	[sflag:s0] =	ssyncadd.s32 @!p0 s1  }
0x2f5: {  	[bflag:$0x3] =	sbarrier.arrive $0xFFFF  }
0x2f6: {  	_ =	shalt  }

</sc_bundles>
